<compile_context>
chip_gen: v7x
topology: tpu7x:2x2x1
jax: 0.10.2.dev20260603
libtpu: 0.0.44.dev20260713+nightly
codegen_flags: <defaults>
</compile_context>

<pallas_src>
import functools

import jax
import jax.numpy as jnp
from jax import lax
from jax.experimental import pallas as pl
from jax.experimental.pallas import tpu as pltpu
from jax.experimental.pallas import tpu_sc as plsc

DIM = 768
NUM_TABLES = 6
CHUNK = 64
NBUF = 2
AHEAD = 2


@functools.lru_cache(maxsize=None)
def _make_gather(B: int, D: int):
    info = plsc.get_sparse_core_info()
    NC, NS = info.num_cores, info.num_subcores
    NW = NC * NS
    assert B % (8 * NW) == 0
    b_per_w = B // NW
    assert b_per_w % CHUNK == 0
    n_chunks = b_per_w // CHUNK
    n_steps = NUM_TABLES * n_chunks

    mesh = plsc.VectorSubcoreMesh(core_axis_name="c", subcore_axis_name="s")

    @functools.partial(
        pl.kernel,
        mesh=mesh,
        out_type=[jax.ShapeDtypeStruct((B, D), jnp.float32)] * (2 * NUM_TABLES),
        scratch_types=(
            [pltpu.VMEM((n_chunks, CHUNK), jnp.int32)]
            + [pltpu.VMEM((CHUNK, D), jnp.float32)] * NBUF
            + [pltpu.SemaphoreType.DMA] * (2 * NBUF)
        ),
    )
    def gather6(idx_hbm, t0, t1, t2, t3, t4, t5, *rest):
        outs = rest[:2 * NUM_TABLES]
        idx_v = rest[2 * NUM_TABLES]
        rows = rest[2 * NUM_TABLES + 1:2 * NUM_TABLES + 1 + NBUF]
        sems = rest[2 * NUM_TABLES + 1 + NBUF:]
        gsem = sems[:NBUF]
        ssem = sems[NBUF:]
        tables = (t0, t1, t2, t3, t4, t5)
        wid = lax.axis_index("s") * NC + lax.axis_index("c")
        base = wid * b_per_w
        pltpu.sync_copy(
            idx_hbm.at[pl.ds(wid * n_chunks, n_chunks)], idx_v)

        def start_gather(s):
            t, c = divmod(s, n_chunks)
            b = s % NBUF
            return pltpu.async_copy(
                tables[t].at[idx_v.at[c]], rows[b], gsem[b])

        def start_scatters(s):
            t, c = divmod(s, n_chunks)
            b = s % NBUF
            dst = pl.ds(base + c * CHUNK, CHUNK)
            return (
                pltpu.async_copy(rows[b], outs[t].at[dst], ssem[b]),
                pltpu.async_copy(rows[b], outs[11 - t].at[dst], ssem[b]),
            )

        g_h = [None] * n_steps
        s_h = [None] * n_steps
        s_waited = [False] * n_steps
        for s in range(AHEAD):
            g_h[s] = start_gather(s)
        for s in range(n_steps):
            g_h[s].wait()
            s_h[s] = start_scatters(s)
            nxt = s + AHEAD
            if nxt < n_steps:
                prev = nxt - NBUF
                if prev >= 0:
                    for h in s_h[prev]:
                        h.wait()
                    s_waited[prev] = True
                g_h[nxt] = start_gather(nxt)
        for s in range(n_steps):
            if not s_waited[s]:
                for h in s_h[s]:
                    h.wait()

    return gather6


def kernel(inputs, W0, W1, W2, W3, W4, W5):
    batch, seq = inputs.shape
    flat_idx = inputs.reshape(-1, CHUNK).astype(jnp.int32)
    outs = _make_gather(batch * seq, DIM)(flat_idx, W0, W1, W2, W3, W4, W5)
    return tuple(o.reshape(batch, seq, DIM) for o in outs)

# --- scband reference (transcript-rebuilt; emitter-appended) ---
"""Pipeline reference for scband-value-embedding-18270790877745 (READ-ONLY COPY).

The authoritative reference and input builder live on the scoring server;
editing this copy changes nothing except your own understanding.
"""

import jax, jax.numpy as jnp
import numpy as np

VOCAB = 100000
DIM = 768
BATCH = 2
SEQ = 2048

def setup_inputs(seed: int = 0) -> dict:
    key = jax.random.key(seed)
    ks = jax.random.split(key, 7)
    inputs = jax.random.randint(ks[0], (BATCH, SEQ), 0, VOCAB, dtype=jnp.int64 if jax.config.jax_enable_x64 else jnp.int32)
    d = {"inputs": inputs}
    for i in range(6):
        d[f"W{i}"] = jax.random.normal(ks[i + 1], (VOCAB, DIM), dtype=jnp.float32) * 0.02
    return d

def reference(inputs, W0, W1, W2, W3, W4, W5):
    # ValueEmbedding.forward: ve = [emb(inputs) for emb in self.embed]; ve += reversed(ve)
    tables = [W0, W1, W2, W3, W4, W5]
    ve = [jnp.take(t, inputs, axis=0) for t in tables]
    ve = ve + ve[::-1]
    return tuple(ve)

if __name__ == "__main__":
    import jax
    _d = setup_inputs()
    print(jax.jit(kernel)(*tuple(_d.values())))

</pallas_src>

<mosaic_0001>
#map = affine_map<(d0, d1) -> (0, 0)>
module attributes {stable_mosaic.version = 14 : i64} {
  func.func @gather6(%arg0: i32, %arg1: i32, %arg2: memref<64x64xi32, #tpu.memory_space<hbm>>, %arg3: memref<100000x768xf32, #tpu.memory_space<hbm>>, %arg4: memref<100000x768xf32, #tpu.memory_space<hbm>>, %arg5: memref<100000x768xf32, #tpu.memory_space<hbm>>, %arg6: memref<100000x768xf32, #tpu.memory_space<hbm>>, %arg7: memref<100000x768xf32, #tpu.memory_space<hbm>>, %arg8: memref<100000x768xf32, #tpu.memory_space<hbm>>, %arg9: memref<4096x768xf32, #tpu.memory_space<hbm>>, %arg10: memref<4096x768xf32, #tpu.memory_space<hbm>>, %arg11: memref<4096x768xf32, #tpu.memory_space<hbm>>, %arg12: memref<4096x768xf32, #tpu.memory_space<hbm>>, %arg13: memref<4096x768xf32, #tpu.memory_space<hbm>>, %arg14: memref<4096x768xf32, #tpu.memory_space<hbm>>, %arg15: memref<4096x768xf32, #tpu.memory_space<hbm>>, %arg16: memref<4096x768xf32, #tpu.memory_space<hbm>>, %arg17: memref<4096x768xf32, #tpu.memory_space<hbm>>, %arg18: memref<4096x768xf32, #tpu.memory_space<hbm>>, %arg19: memref<4096x768xf32, #tpu.memory_space<hbm>>, %arg20: memref<4096x768xf32, #tpu.memory_space<hbm>>, %arg21: memref<2x64xi32, #tpu.memory_space<vmem>>, %arg22: memref<64x768xf32, #tpu.memory_space<vmem>>, %arg23: memref<64x768xf32, #tpu.memory_space<vmem>>, %arg24: memref<!tpu.dma_semaphore, #tpu.memory_space<semaphore_mem>>, %arg25: memref<!tpu.dma_semaphore, #tpu.memory_space<semaphore_mem>>, %arg26: memref<!tpu.dma_semaphore, #tpu.memory_space<semaphore_mem>>, %arg27: memref<!tpu.dma_semaphore, #tpu.memory_space<semaphore_mem>>) attributes {dimension_semantics = [#tpu.dimension_semantics<core_parallel>, #tpu.dimension_semantics<subcore_parallel>], iteration_bounds = array<i64: 2, 16>, scalar_prefetch = 0 : i64, scratch_operands = 7 : i64, tpu.core_type = #tpu.core_type<sc_vector_subcore>, window_params = [{transform_indices = #map}, {transform_indices = #map}, {transform_indices = #map}, {transform_indices = #map}, {transform_indices = #map}, {transform_indices = #map}, {transform_indices = #map}, {transform_indices = #map}, {transform_indices = #map}, {transform_indices = #map}, {transform_indices = #map}, {transform_indices = #map}, {transform_indices = #map}, {transform_indices = #map}, {transform_indices = #map}, {transform_indices = #map}, {transform_indices = #map}, {transform_indices = #map}, {transform_indices = #map}]} {
    %mul3A = arith.constant 2 : i32
    %mul3A_0 = arith.muli %arg1, %mul3A : i32
    %add3A = arith.addi %mul3A_0, %arg0 : i32
    %mul3A_1 = arith.constant 128 : i32
    %mul3A_2 = arith.muli %add3A, %mul3A_1 : i32
    %mul3A_3 = arith.constant 2 : i32
    %mul3A_4 = arith.muli %add3A, %mul3A_3 : i32
    "tpu.region"() ({
      %run_scoped3A = tpu.sem_alloc : memref<!tpu.dma_semaphore, #tpu.memory_space<semaphore_mem>>
      %dma_start3A_387 = arith.constant 0 : i32
      %dma_start3A_388 = tpu.memref_slice %arg2[%mul3A_4, %dma_start3A_387] : memref<64x64xi32, #tpu.memory_space<hbm>> -> memref<2x64xi32, #tpu.memory_space<hbm>>
      %dma_start3A_389 = arith.constant 0 : i32
      %dma_start3A_390 = tpu.memref_slice %arg2[%mul3A_4, %dma_start3A_389] : memref<64x64xi32, #tpu.memory_space<hbm>> -> memref<2x64xi32, #tpu.memory_space<hbm>>
      tpu.enqueue_dma source(%dma_start3A_390 : memref<2x64xi32, #tpu.memory_space<hbm>>) target(%arg21 : memref<2x64xi32, #tpu.memory_space<vmem>>) target_semaphore(%run_scoped3A : memref<!tpu.dma_semaphore, #tpu.memory_space<semaphore_mem>>)
      %dma_wait3A_391 = arith.constant 0 : i32
      %dma_wait3A_392 = tpu.memref_slice %arg2[%mul3A_4, %dma_wait3A_391] : memref<64x64xi32, #tpu.memory_space<hbm>> -> memref<2x64xi32, #tpu.memory_space<hbm>>
      %dma_wait3A_393 = arith.constant 0 : i32
      %dma_wait3A_394 = tpu.memref_slice %arg2[%mul3A_4, %dma_wait3A_393] : memref<64x64xi32, #tpu.memory_space<hbm>> -> memref<2x64xi32, #tpu.memory_space<hbm>>
      tpu.wait_dma2 semaphore(%run_scoped3A : memref<!tpu.dma_semaphore, #tpu.memory_space<semaphore_mem>>) src(%dma_wait3A_394 : memref<2x64xi32, #tpu.memory_space<hbm>>) dst(%arg21 : memref<2x64xi32, #tpu.memory_space<vmem>>)
      tpu.yield
    }) : () -> ()
    %dma_start3A = arith.constant 0 : i32
    %dma_start3A_5 = arith.constant 0 : i32
    %dma_start3A_6 = tpu.memref_slice %arg21[%dma_start3A, %dma_start3A_5] : memref<2x64xi32, #tpu.memory_space<vmem>> -> memref<1x64xi32, #tpu.memory_space<vmem>>
    %dma_start3A_7 = tpu.memref_squeeze %dma_start3A_6 : memref<1x64xi32, #tpu.memory_space<vmem>> -> memref<64xi32, #tpu.memory_space<vmem>>
    %dma_start3A_8 = arith.constant 0 : i32
    %dma_start3A_9 = arith.constant 0 : i32
    %dma_start3A_10 = tpu.memref_slice %arg3[%dma_start3A_8, %dma_start3A_9] : memref<100000x768xf32, #tpu.memory_space<hbm>> -> memref<100000x768xf32, #tpu.memory_space<hbm>>
    tpu.enqueue_indirect_dma source(%dma_start3A_10 : memref<100000x768xf32, #tpu.memory_space<hbm>>) target(%arg22 : memref<64x768xf32, #tpu.memory_space<vmem>>) offsets(%dma_start3A_7 : memref<64xi32, #tpu.memory_space<vmem>>) semaphore(%arg24 : memref<!tpu.dma_semaphore, #tpu.memory_space<semaphore_mem>>)
    %dma_start3A_11 = arith.constant 1 : i32
    %dma_start3A_12 = arith.constant 0 : i32
    %dma_start3A_13 = tpu.memref_slice %arg21[%dma_start3A_11, %dma_start3A_12] : memref<2x64xi32, #tpu.memory_space<vmem>> -> memref<1x64xi32, #tpu.memory_space<vmem>>
    %dma_start3A_14 = tpu.memref_squeeze %dma_start3A_13 : memref<1x64xi32, #tpu.memory_space<vmem>> -> memref<64xi32, #tpu.memory_space<vmem>>
    %dma_start3A_15 = arith.constant 0 : i32
    %dma_start3A_16 = arith.constant 0 : i32
    %dma_start3A_17 = tpu.memref_slice %arg3[%dma_start3A_15, %dma_start3A_16] : memref<100000x768xf32, #tpu.memory_space<hbm>> -> memref<100000x768xf32, #tpu.memory_space<hbm>>
    tpu.enqueue_indirect_dma source(%dma_start3A_17 : memref<100000x768xf32, #tpu.memory_space<hbm>>) target(%arg23 : memref<64x768xf32, #tpu.memory_space<vmem>>) offsets(%dma_start3A_14 : memref<64xi32, #tpu.memory_space<vmem>>) semaphore(%arg25 : memref<!tpu.dma_semaphore, #tpu.memory_space<semaphore_mem>>)
    %dma_wait3A = arith.constant 0 : i32
    %dma_wait3A_18 = arith.constant 0 : i32
    %dma_wait3A_19 = tpu.memref_slice %arg21[%dma_wait3A, %dma_wait3A_18] : memref<2x64xi32, #tpu.memory_space<vmem>> -> memref<1x64xi32, #tpu.memory_space<vmem>>
    %dma_wait3A_20 = tpu.memref_squeeze %dma_wait3A_19 : memref<1x64xi32, #tpu.memory_space<vmem>> -> memref<64xi32, #tpu.memory_space<vmem>>
    %dma_wait3A_21 = arith.constant 0 : i32
    %dma_wait3A_22 = arith.constant 0 : i32
    %dma_wait3A_23 = tpu.memref_slice %arg3[%dma_wait3A_21, %dma_wait3A_22] : memref<100000x768xf32, #tpu.memory_space<hbm>> -> memref<100000x768xf32, #tpu.memory_space<hbm>>
    tpu.wait_indirect_dma semaphore(%arg24 : memref<!tpu.dma_semaphore, #tpu.memory_space<semaphore_mem>>) src(%dma_wait3A_23 : memref<100000x768xf32, #tpu.memory_space<hbm>>) dst(%arg22 : memref<64x768xf32, #tpu.memory_space<vmem>>)
    %add3A_24 = arith.constant 0 : i32
    %add3A_25 = arith.addi %mul3A_2, %add3A_24 : i32
    %dma_start3A_26 = arith.constant 0 : i32
    %dma_start3A_27 = tpu.memref_slice %arg9[%add3A_25, %dma_start3A_26] : memref<4096x768xf32, #tpu.memory_space<hbm>> -> memref<64x768xf32, #tpu.memory_space<hbm>>
    %dma_start3A_28 = arith.constant 0 : i32
    %dma_start3A_29 = tpu.memref_slice %arg9[%add3A_25, %dma_start3A_28] : memref<4096x768xf32, #tpu.memory_space<hbm>> -> memref<64x768xf32, #tpu.memory_space<hbm>>
    tpu.enqueue_dma source(%arg22 : memref<64x768xf32, #tpu.memory_space<vmem>>) target(%dma_start3A_29 : memref<64x768xf32, #tpu.memory_space<hbm>>) target_semaphore(%arg26 : memref<!tpu.dma_semaphore, #tpu.memory_space<semaphore_mem>>)
    %dma_start3A_30 = arith.constant 0 : i32
    %dma_start3A_31 = tpu.memref_slice %arg20[%add3A_25, %dma_start3A_30] : memref<4096x768xf32, #tpu.memory_space<hbm>> -> memref<64x768xf32, #tpu.memory_space<hbm>>
    %dma_start3A_32 = arith.constant 0 : i32
    %dma_start3A_33 = tpu.memref_slice %arg20[%add3A_25, %dma_start3A_32] : memref<4096x768xf32, #tpu.memory_space<hbm>> -> memref<64x768xf32, #tpu.memory_space<hbm>>
    tpu.enqueue_dma source(%arg22 : memref<64x768xf32, #tpu.memory_space<vmem>>) target(%dma_start3A_33 : memref<64x768xf32, #tpu.memory_space<hbm>>) target_semaphore(%arg26 : memref<!tpu.dma_semaphore, #tpu.memory_space<semaphore_mem>>)
    %dma_wait3A_34 = arith.constant 0 : i32
    %dma_wait3A_35 = tpu.memref_slice %arg9[%add3A_25, %dma_wait3A_34] : memref<4096x768xf32, #tpu.memory_space<hbm>> -> memref<64x768xf32, #tpu.memory_space<hbm>>
    %dma_wait3A_36 = arith.constant 0 : i32
    %dma_wait3A_37 = tpu.memref_slice %arg9[%add3A_25, %dma_wait3A_36] : memref<4096x768xf32, #tpu.memory_space<hbm>> -> memref<64x768xf32, #tpu.memory_space<hbm>>
    tpu.wait_dma2 semaphore(%arg26 : memref<!tpu.dma_semaphore, #tpu.memory_space<semaphore_mem>>) src(%arg22 : memref<64x768xf32, #tpu.memory_space<vmem>>) dst(%dma_wait3A_37 : memref<64x768xf32, #tpu.memory_space<hbm>>)
    %dma_wait3A_38 = arith.constant 0 : i32
    %dma_wait3A_39 = tpu.memref_slice %arg20[%add3A_25, %dma_wait3A_38] : memref<4096x768xf32, #tpu.memory_space<hbm>> -> memref<64x768xf32, #tpu.memory_space<hbm>>
    %dma_wait3A_40 = arith.constant 0 : i32
    %dma_wait3A_41 = tpu.memref_slice %arg20[%add3A_25, %dma_wait3A_40] : memref<4096x768xf32, #tpu.memory_space<hbm>> -> memref<64x768xf32, #tpu.memory_space<hbm>>
    tpu.wait_dma2 semaphore(%arg26 : memref<!tpu.dma_semaphore, #tpu.memory_space<semaphore_mem>>) src(%arg22 : memref<64x768xf32, #tpu.memory_space<vmem>>) dst(%dma_wait3A_41 : memref<64x768xf32, #tpu.memory_space<hbm>>)
    %dma_start3A_42 = arith.constant 0 : i32
    %dma_start3A_43 = arith.constant 0 : i32
    %dma_start3A_44 = tpu.memref_slice %arg21[%dma_start3A_42, %dma_start3A_43] : memref<2x64xi32, #tpu.memory_space<vmem>> -> memref<1x64xi32, #tpu.memory_space<vmem>>
    %dma_start3A_45 = tpu.memref_squeeze %dma_start3A_44 : memref<1x64xi32, #tpu.memory_space<vmem>> -> memref<64xi32, #tpu.memory_space<vmem>>
    %dma_start3A_46 = arith.constant 0 : i32
    %dma_start3A_47 = arith.constant 0 : i32
    %dma_start3A_48 = tpu.memref_slice %arg4[%dma_start3A_46, %dma_start3A_47] : memref<100000x768xf32, #tpu.memory_space<hbm>> -> memref<100000x768xf32, #tpu.memory_space<hbm>>
    tpu.enqueue_indirect_dma source(%dma_start3A_48 : memref<100000x768xf32, #tpu.memory_space<hbm>>) target(%arg22 : memref<64x768xf32, #tpu.memory_space<vmem>>) offsets(%dma_start3A_45 : memref<64xi32, #tpu.memory_space<vmem>>) semaphore(%arg24 : memref<!tpu.dma_semaphore, #tpu.memory_space<semaphore_mem>>)
    %dma_wait3A_49 = arith.constant 1 : i32
    %dma_wait3A_50 = arith.constant 0 : i32
    %dma_wait3A_51 = tpu.memref_slice %arg21[%dma_wait3A_49, %dma_wait3A_50] : memref<2x64xi32, #tpu.memory_space<vmem>> -> memref<1x64xi32, #tpu.memory_space<vmem>>
    %dma_wait3A_52 = tpu.memref_squeeze %dma_wait3A_51 : memref<1x64xi32, #tpu.memory_space<vmem>> -> memref<64xi32, #tpu.memory_space<vmem>>
    %dma_wait3A_53 = arith.constant 0 : i32
    %dma_wait3A_54 = arith.constant 0 : i32
    %dma_wait3A_55 = tpu.memref_slice %arg3[%dma_wait3A_53, %dma_wait3A_54] : memref<100000x768xf32, #tpu.memory_space<hbm>> -> memref<100000x768xf32, #tpu.memory_space<hbm>>
    tpu.wait_indirect_dma semaphore(%arg25 : memref<!tpu.dma_semaphore, #tpu.memory_space<semaphore_mem>>) src(%dma_wait3A_55 : memref<100000x768xf32, #tpu.memory_space<hbm>>) dst(%arg23 : memref<64x768xf32, #tpu.memory_space<vmem>>)
    %add3A_56 = arith.constant 64 : i32
    %add3A_57 = arith.addi %mul3A_2, %add3A_56 : i32
    %dma_start3A_58 = arith.constant 0 : i32
    %dma_start3A_59 = tpu.memref_slice %arg9[%add3A_57, %dma_start3A_58] : memref<4096x768xf32, #tpu.memory_space<hbm>> -> memref<64x768xf32, #tpu.memory_space<hbm>>
    %dma_start3A_60 = arith.constant 0 : i32
    %dma_start3A_61 = tpu.memref_slice %arg9[%add3A_57, %dma_start3A_60] : memref<4096x768xf32, #tpu.memory_space<hbm>> -> memref<64x768xf32, #tpu.memory_space<hbm>>
    tpu.enqueue_dma source(%arg23 : memref<64x768xf32, #tpu.memory_space<vmem>>) target(%dma_start3A_61 : memref<64x768xf32, #tpu.memory_space<hbm>>) target_semaphore(%arg27 : memref<!tpu.dma_semaphore, #tpu.memory_space<semaphore_mem>>)
    %dma_start3A_62 = arith.constant 0 : i32
    %dma_start3A_63 = tpu.memref_slice %arg20[%add3A_57, %dma_start3A_62] : memref<4096x768xf32, #tpu.memory_space<hbm>> -> memref<64x768xf32, #tpu.memory_space<hbm>>
    %dma_start3A_64 = arith.constant 0 : i32
    %dma_start3A_65 = tpu.memref_slice %arg20[%add3A_57, %dma_start3A_64] : memref<4096x768xf32, #tpu.memory_space<hbm>> -> memref<64x768xf32, #tpu.memory_space<hbm>>
    tpu.enqueue_dma source(%arg23 : memref<64x768xf32, #tpu.memory_space<vmem>>) target(%dma_start3A_65 : memref<64x768xf32, #tpu.memory_space<hbm>>) target_semaphore(%arg27 : memref<!tpu.dma_semaphore, #tpu.memory_space<semaphore_mem>>)
    %dma_wait3A_66 = arith.constant 0 : i32
    %dma_wait3A_67 = tpu.memref_slice %arg9[%add3A_57, %dma_wait3A_66] : memref<4096x768xf32, #tpu.memory_space<hbm>> -> memref<64x768xf32, #tpu.memory_space<hbm>>
    %dma_wait3A_68 = arith.constant 0 : i32
    %dma_wait3A_69 = tpu.memref_slice %arg9[%add3A_57, %dma_wait3A_68] : memref<4096x768xf32, #tpu.memory_space<hbm>> -> memref<64x768xf32, #tpu.memory_space<hbm>>
    tpu.wait_dma2 semaphore(%arg27 : memref<!tpu.dma_semaphore, #tpu.memory_space<semaphore_mem>>) src(%arg23 : memref<64x768xf32, #tpu.memory_space<vmem>>) dst(%dma_wait3A_69 : memref<64x768xf32, #tpu.memory_space<hbm>>)
    %dma_wait3A_70 = arith.constant 0 : i32
    %dma_wait3A_71 = tpu.memref_slice %arg20[%add3A_57, %dma_wait3A_70] : memref<4096x768xf32, #tpu.memory_space<hbm>> -> memref<64x768xf32, #tpu.memory_space<hbm>>
    %dma_wait3A_72 = arith.constant 0 : i32
    %dma_wait3A_73 = tpu.memref_slice %arg20[%add3A_57, %dma_wait3A_72] : memref<4096x768xf32, #tpu.memory_space<hbm>> -> memref<64x768xf32, #tpu.memory_space<hbm>>
    tpu.wait_dma2 semaphore(%arg27 : memref<!tpu.dma_semaphore, #tpu.memory_space<semaphore_mem>>) src(%arg23 : memref<64x768xf32, #tpu.memory_space<vmem>>) dst(%dma_wait3A_73 : memref<64x768xf32, #tpu.memory_space<hbm>>)
    %dma_start3A_74 = arith.constant 1 : i32
    %dma_start3A_75 = arith.constant 0 : i32
    %dma_start3A_76 = tpu.memref_slice %arg21[%dma_start3A_74, %dma_start3A_75] : memref<2x64xi32, #tpu.memory_space<vmem>> -> memref<1x64xi32, #tpu.memory_space<vmem>>
    %dma_start3A_77 = tpu.memref_squeeze %dma_start3A_76 : memref<1x64xi32, #tpu.memory_space<vmem>> -> memref<64xi32, #tpu.memory_space<vmem>>
    %dma_start3A_78 = arith.constant 0 : i32
    %dma_start3A_79 = arith.constant 0 : i32
    %dma_start3A_80 = tpu.memref_slice %arg4[%dma_start3A_78, %dma_start3A_79] : memref<100000x768xf32, #tpu.memory_space<hbm>> -> memref<100000x768xf32, #tpu.memory_space<hbm>>
    tpu.enqueue_indirect_dma source(%dma_start3A_80 : memref<100000x768xf32, #tpu.memory_space<hbm>>) target(%arg23 : memref<64x768xf32, #tpu.memory_space<vmem>>) offsets(%dma_start3A_77 : memref<64xi32, #tpu.memory_space<vmem>>) semaphore(%arg25 : memref<!tpu.dma_semaphore, #tpu.memory_space<semaphore_mem>>)
    %dma_wait3A_81 = arith.constant 0 : i32
    %dma_wait3A_82 = arith.constant 0 : i32
    %dma_wait3A_83 = tpu.memref_slice %arg21[%dma_wait3A_81, %dma_wait3A_82] : memref<2x64xi32, #tpu.memory_space<vmem>> -> memref<1x64xi32, #tpu.memory_space<vmem>>
    %dma_wait3A_84 = tpu.memref_squeeze %dma_wait3A_83 : memref<1x64xi32, #tpu.memory_space<vmem>> -> memref<64xi32, #tpu.memory_space<vmem>>
    %dma_wait3A_85 = arith.constant 0 : i32
    %dma_wait3A_86 = arith.constant 0 : i32
    %dma_wait3A_87 = tpu.memref_slice %arg4[%dma_wait3A_85, %dma_wait3A_86] : memref<100000x768xf32, #tpu.memory_space<hbm>> -> memref<100000x768xf32, #tpu.memory_space<hbm>>
    tpu.wait_indirect_dma semaphore(%arg24 : memref<!tpu.dma_semaphore, #tpu.memory_space<semaphore_mem>>) src(%dma_wait3A_87 : memref<100000x768xf32, #tpu.memory_space<hbm>>) dst(%arg22 : memref<64x768xf32, #tpu.memory_space<vmem>>)
    %add3A_88 = arith.constant 0 : i32
    %add3A_89 = arith.addi %mul3A_2, %add3A_88 : i32
    %dma_start3A_90 = arith.constant 0 : i32
    %dma_start3A_91 = tpu.memref_slice %arg10[%add3A_89, %dma_start3A_90] : memref<4096x768xf32, #tpu.memory_space<hbm>> -> memref<64x768xf32, #tpu.memory_space<hbm>>
    %dma_start3A_92 = arith.constant 0 : i32
    %dma_start3A_93 = tpu.memref_slice %arg10[%add3A_89, %dma_start3A_92] : memref<4096x768xf32, #tpu.memory_space<hbm>> -> memref<64x768xf32, #tpu.memory_space<hbm>>
    tpu.enqueue_dma source(%arg22 : memref<64x768xf32, #tpu.memory_space<vmem>>) target(%dma_start3A_93 : memref<64x768xf32, #tpu.memory_space<hbm>>) target_semaphore(%arg26 : memref<!tpu.dma_semaphore, #tpu.memory_space<semaphore_mem>>)
    %dma_start3A_94 = arith.constant 0 : i32
    %dma_start3A_95 = tpu.memref_slice %arg19[%add3A_89, %dma_start3A_94] : memref<4096x768xf32, #tpu.memory_space<hbm>> -> memref<64x768xf32, #tpu.memory_space<hbm>>
    %dma_start3A_96 = arith.constant 0 : i32
    %dma_start3A_97 = tpu.memref_slice %arg19[%add3A_89, %dma_start3A_96] : memref<4096x768xf32, #tpu.memory_space<hbm>> -> memref<64x768xf32, #tpu.memory_space<hbm>>
    tpu.enqueue_dma source(%arg22 : memref<64x768xf32, #tpu.memory_space<vmem>>) target(%dma_start3A_97 : memref<64x768xf32, #tpu.memory_space<hbm>>) target_semaphore(%arg26 : memref<!tpu.dma_semaphore, #tpu.memory_space<semaphore_mem>>)
    %dma_wait3A_98 = arith.constant 0 : i32
    %dma_wait3A_99 = tpu.memref_slice %arg10[%add3A_89, %dma_wait3A_98] : memref<4096x768xf32, #tpu.memory_space<hbm>> -> memref<64x768xf32, #tpu.memory_space<hbm>>
    %dma_wait3A_100 = arith.constant 0 : i32
    %dma_wait3A_101 = tpu.memref_slice %arg10[%add3A_89, %dma_wait3A_100] : memref<4096x768xf32, #tpu.memory_space<hbm>> -> memref<64x768xf32, #tpu.memory_space<hbm>>
    tpu.wait_dma2 semaphore(%arg26 : memref<!tpu.dma_semaphore, #tpu.memory_space<semaphore_mem>>) src(%arg22 : memref<64x768xf32, #tpu.memory_space<vmem>>) dst(%dma_wait3A_101 : memref<64x768xf32, #tpu.memory_space<hbm>>)
    %dma_wait3A_102 = arith.constant 0 : i32
    %dma_wait3A_103 = tpu.memref_slice %arg19[%add3A_89, %dma_wait3A_102] : memref<4096x768xf32, #tpu.memory_space<hbm>> -> memref<64x768xf32, #tpu.memory_space<hbm>>
    %dma_wait3A_104 = arith.constant 0 : i32
    %dma_wait3A_105 = tpu.memref_slice %arg19[%add3A_89, %dma_wait3A_104] : memref<4096x768xf32, #tpu.memory_space<hbm>> -> memref<64x768xf32, #tpu.memory_space<hbm>>
    tpu.wait_dma2 semaphore(%arg26 : memref<!tpu.dma_semaphore, #tpu.memory_space<semaphore_mem>>) src(%arg22 : memref<64x768xf32, #tpu.memory_space<vmem>>) dst(%dma_wait3A_105 : memref<64x768xf32, #tpu.memory_space<hbm>>)
    %dma_start3A_106 = arith.constant 0 : i32
    %dma_start3A_107 = arith.constant 0 : i32
    %dma_start3A_108 = tpu.memref_slice %arg21[%dma_start3A_106, %dma_start3A_107] : memref<2x64xi32, #tpu.memory_space<vmem>> -> memref<1x64xi32, #tpu.memory_space<vmem>>
    %dma_start3A_109 = tpu.memref_squeeze %dma_start3A_108 : memref<1x64xi32, #tpu.memory_space<vmem>> -> memref<64xi32, #tpu.memory_space<vmem>>
    %dma_start3A_110 = arith.constant 0 : i32
    %dma_start3A_111 = arith.constant 0 : i32
    %dma_start3A_112 = tpu.memref_slice %arg5[%dma_start3A_110, %dma_start3A_111] : memref<100000x768xf32, #tpu.memory_space<hbm>> -> memref<100000x768xf32, #tpu.memory_space<hbm>>
    tpu.enqueue_indirect_dma source(%dma_start3A_112 : memref<100000x768xf32, #tpu.memory_space<hbm>>) target(%arg22 : memref<64x768xf32, #tpu.memory_space<vmem>>) offsets(%dma_start3A_109 : memref<64xi32, #tpu.memory_space<vmem>>) semaphore(%arg24 : memref<!tpu.dma_semaphore, #tpu.memory_space<semaphore_mem>>)
    %dma_wait3A_113 = arith.constant 1 : i32
    %dma_wait3A_114 = arith.constant 0 : i32
    %dma_wait3A_115 = tpu.memref_slice %arg21[%dma_wait3A_113, %dma_wait3A_114] : memref<2x64xi32, #tpu.memory_space<vmem>> -> memref<1x64xi32, #tpu.memory_space<vmem>>
    %dma_wait3A_116 = tpu.memref_squeeze %dma_wait3A_115 : memref<1x64xi32, #tpu.memory_space<vmem>> -> memref<64xi32, #tpu.memory_space<vmem>>
    %dma_wait3A_117 = arith.constant 0 : i32
    %dma_wait3A_118 = arith.constant 0 : i32
    %dma_wait3A_119 = tpu.memref_slice %arg4[%dma_wait3A_117, %dma_wait3A_118] : memref<100000x768xf32, #tpu.memory_space<hbm>> -> memref<100000x768xf32, #tpu.memory_space<hbm>>
    tpu.wait_indirect_dma semaphore(%arg25 : memref<!tpu.dma_semaphore, #tpu.memory_space<semaphore_mem>>) src(%dma_wait3A_119 : memref<100000x768xf32, #tpu.memory_space<hbm>>) dst(%arg23 : memref<64x768xf32, #tpu.memory_space<vmem>>)
    %add3A_120 = arith.constant 64 : i32
    %add3A_121 = arith.addi %mul3A_2, %add3A_120 : i32
    %dma_start3A_122 = arith.constant 0 : i32
    %dma_start3A_123 = tpu.memref_slice %arg10[%add3A_121, %dma_start3A_122] : memref<4096x768xf32, #tpu.memory_space<hbm>> -> memref<64x768xf32, #tpu.memory_space<hbm>>
    %dma_start3A_124 = arith.constant 0 : i32
    %dma_start3A_125 = tpu.memref_slice %arg10[%add3A_121, %dma_start3A_124] : memref<4096x768xf32, #tpu.memory_space<hbm>> -> memref<64x768xf32, #tpu.memory_space<hbm>>
    tpu.enqueue_dma source(%arg23 : memref<64x768xf32, #tpu.memory_space<vmem>>) target(%dma_start3A_125 : memref<64x768xf32, #tpu.memory_space<hbm>>) target_semaphore(%arg27 : memref<!tpu.dma_semaphore, #tpu.memory_space<semaphore_mem>>)
    %dma_start3A_126 = arith.constant 0 : i32
    %dma_start3A_127 = tpu.memref_slice %arg19[%add3A_121, %dma_start3A_126] : memref<4096x768xf32, #tpu.memory_space<hbm>> -> memref<64x768xf32, #tpu.memory_space<hbm>>
    %dma_start3A_128 = arith.constant 0 : i32
    %dma_start3A_129 = tpu.memref_slice %arg19[%add3A_121, %dma_start3A_128] : memref<4096x768xf32, #tpu.memory_space<hbm>> -> memref<64x768xf32, #tpu.memory_space<hbm>>
    tpu.enqueue_dma source(%arg23 : memref<64x768xf32, #tpu.memory_space<vmem>>) target(%dma_start3A_129 : memref<64x768xf32, #tpu.memory_space<hbm>>) target_semaphore(%arg27 : memref<!tpu.dma_semaphore, #tpu.memory_space<semaphore_mem>>)
    %dma_wait3A_130 = arith.constant 0 : i32
    %dma_wait3A_131 = tpu.memref_slice %arg10[%add3A_121, %dma_wait3A_130] : memref<4096x768xf32, #tpu.memory_space<hbm>> -> memref<64x768xf32, #tpu.memory_space<hbm>>
    %dma_wait3A_132 = arith.constant 0 : i32
    %dma_wait3A_133 = tpu.memref_slice %arg10[%add3A_121, %dma_wait3A_132] : memref<4096x768xf32, #tpu.memory_space<hbm>> -> memref<64x768xf32, #tpu.memory_space<hbm>>
    tpu.wait_dma2 semaphore(%arg27 : memref<!tpu.dma_semaphore, #tpu.memory_space<semaphore_mem>>) src(%arg23 : memref<64x768xf32, #tpu.memory_space<vmem>>) dst(%dma_wait3A_133 : memref<64x768xf32, #tpu.memory_space<hbm>>)
    %dma_wait3A_134 = arith.constant 0 : i32
    %dma_wait3A_135 = tpu.memref_slice %arg19[%add3A_121, %dma_wait3A_134] : memref<4096x768xf32, #tpu.memory_space<hbm>> -> memref<64x768xf32, #tpu.memory_space<hbm>>
    %dma_wait3A_136 = arith.constant 0 : i32
    %dma_wait3A_137 = tpu.memref_slice %arg19[%add3A_121, %dma_wait3A_136] : memref<4096x768xf32, #tpu.memory_space<hbm>> -> memref<64x768xf32, #tpu.memory_space<hbm>>
    tpu.wait_dma2 semaphore(%arg27 : memref<!tpu.dma_semaphore, #tpu.memory_space<semaphore_mem>>) src(%arg23 : memref<64x768xf32, #tpu.memory_space<vmem>>) dst(%dma_wait3A_137 : memref<64x768xf32, #tpu.memory_space<hbm>>)
    %dma_start3A_138 = arith.constant 1 : i32
    %dma_start3A_139 = arith.constant 0 : i32
    %dma_start3A_140 = tpu.memref_slice %arg21[%dma_start3A_138, %dma_start3A_139] : memref<2x64xi32, #tpu.memory_space<vmem>> -> memref<1x64xi32, #tpu.memory_space<vmem>>
    %dma_start3A_141 = tpu.memref_squeeze %dma_start3A_140 : memref<1x64xi32, #tpu.memory_space<vmem>> -> memref<64xi32, #tpu.memory_space<vmem>>
    %dma_start3A_142 = arith.constant 0 : i32
    %dma_start3A_143 = arith.constant 0 : i32
    %dma_start3A_144 = tpu.memref_slice %arg5[%dma_start3A_142, %dma_start3A_143] : memref<100000x768xf32, #tpu.memory_space<hbm>> -> memref<100000x768xf32, #tpu.memory_space<hbm>>
    tpu.enqueue_indirect_dma source(%dma_start3A_144 : memref<100000x768xf32, #tpu.memory_space<hbm>>) target(%arg23 : memref<64x768xf32, #tpu.memory_space<vmem>>) offsets(%dma_start3A_141 : memref<64xi32, #tpu.memory_space<vmem>>) semaphore(%arg25 : memref<!tpu.dma_semaphore, #tpu.memory_space<semaphore_mem>>)
    %dma_wait3A_145 = arith.constant 0 : i32
    %dma_wait3A_146 = arith.constant 0 : i32
    %dma_wait3A_147 = tpu.memref_slice %arg21[%dma_wait3A_145, %dma_wait3A_146] : memref<2x64xi32, #tpu.memory_space<vmem>> -> memref<1x64xi32, #tpu.memory_space<vmem>>
    %dma_wait3A_148 = tpu.memref_squeeze %dma_wait3A_147 : memref<1x64xi32, #tpu.memory_space<vmem>> -> memref<64xi32, #tpu.memory_space<vmem>>
    %dma_wait3A_149 = arith.constant 0 : i32
    %dma_wait3A_150 = arith.constant 0 : i32
    %dma_wait3A_151 = tpu.memref_slice %arg5[%dma_wait3A_149, %dma_wait3A_150] : memref<100000x768xf32, #tpu.memory_space<hbm>> -> memref<100000x768xf32, #tpu.memory_space<hbm>>
    tpu.wait_indirect_dma semaphore(%arg24 : memref<!tpu.dma_semaphore, #tpu.memory_space<semaphore_mem>>) src(%dma_wait3A_151 : memref<100000x768xf32, #tpu.memory_space<hbm>>) dst(%arg22 : memref<64x768xf32, #tpu.memory_space<vmem>>)
    %add3A_152 = arith.constant 0 : i32
    %add3A_153 = arith.addi %mul3A_2, %add3A_152 : i32
    %dma_start3A_154 = arith.constant 0 : i32
    %dma_start3A_155 = tpu.memref_slice %arg11[%add3A_153, %dma_start3A_154] : memref<4096x768xf32, #tpu.memory_space<hbm>> -> memref<64x768xf32, #tpu.memory_space<hbm>>
    %dma_start3A_156 = arith.constant 0 : i32
    %dma_start3A_157 = tpu.memref_slice %arg11[%add3A_153, %dma_start3A_156] : memref<4096x768xf32, #tpu.memory_space<hbm>> -> memref<64x768xf32, #tpu.memory_space<hbm>>
    tpu.enqueue_dma source(%arg22 : memref<64x768xf32, #tpu.memory_space<vmem>>) target(%dma_start3A_157 : memref<64x768xf32, #tpu.memory_space<hbm>>) target_semaphore(%arg26 : memref<!tpu.dma_semaphore, #tpu.memory_space<semaphore_mem>>)
    %dma_start3A_158 = arith.constant 0 : i32
    %dma_start3A_159 = tpu.memref_slice %arg18[%add3A_153, %dma_start3A_158] : memref<4096x768xf32, #tpu.memory_space<hbm>> -> memref<64x768xf32, #tpu.memory_space<hbm>>
    %dma_start3A_160 = arith.constant 0 : i32
    %dma_start3A_161 = tpu.memref_slice %arg18[%add3A_153, %dma_start3A_160] : memref<4096x768xf32, #tpu.memory_space<hbm>> -> memref<64x768xf32, #tpu.memory_space<hbm>>
    tpu.enqueue_dma source(%arg22 : memref<64x768xf32, #tpu.memory_space<vmem>>) target(%dma_start3A_161 : memref<64x768xf32, #tpu.memory_space<hbm>>) target_semaphore(%arg26 : memref<!tpu.dma_semaphore, #tpu.memory_space<semaphore_mem>>)
    %dma_wait3A_162 = arith.constant 0 : i32
    %dma_wait3A_163 = tpu.memref_slice %arg11[%add3A_153, %dma_wait3A_162] : memref<4096x768xf32, #tpu.memory_space<hbm>> -> memref<64x768xf32, #tpu.memory_space<hbm>>
    %dma_wait3A_164 = arith.constant 0 : i32
    %dma_wait3A_165 = tpu.memref_slice %arg11[%add3A_153, %dma_wait3A_164] : memref<4096x768xf32, #tpu.memory_space<hbm>> -> memref<64x768xf32, #tpu.memory_space<hbm>>
    tpu.wait_dma2 semaphore(%arg26 : memref<!tpu.dma_semaphore, #tpu.memory_space<semaphore_mem>>) src(%arg22 : memref<64x768xf32, #tpu.memory_space<vmem>>) dst(%dma_wait3A_165 : memref<64x768xf32, #tpu.memory_space<hbm>>)
    %dma_wait3A_166 = arith.constant 0 : i32
    %dma_wait3A_167 = tpu.memref_slice %arg18[%add3A_153, %dma_wait3A_166] : memref<4096x768xf32, #tpu.memory_space<hbm>> -> memref<64x768xf32, #tpu.memory_space<hbm>>
    %dma_wait3A_168 = arith.constant 0 : i32
    %dma_wait3A_169 = tpu.memref_slice %arg18[%add3A_153, %dma_wait3A_168] : memref<4096x768xf32, #tpu.memory_space<hbm>> -> memref<64x768xf32, #tpu.memory_space<hbm>>
    tpu.wait_dma2 semaphore(%arg26 : memref<!tpu.dma_semaphore, #tpu.memory_space<semaphore_mem>>) src(%arg22 : memref<64x768xf32, #tpu.memory_space<vmem>>) dst(%dma_wait3A_169 : memref<64x768xf32, #tpu.memory_space<hbm>>)
    %dma_start3A_170 = arith.constant 0 : i32
    %dma_start3A_171 = arith.constant 0 : i32
    %dma_start3A_172 = tpu.memref_slice %arg21[%dma_start3A_170, %dma_start3A_171] : memref<2x64xi32, #tpu.memory_space<vmem>> -> memref<1x64xi32, #tpu.memory_space<vmem>>
    %dma_start3A_173 = tpu.memref_squeeze %dma_start3A_172 : memref<1x64xi32, #tpu.memory_space<vmem>> -> memref<64xi32, #tpu.memory_space<vmem>>
    %dma_start3A_174 = arith.constant 0 : i32
    %dma_start3A_175 = arith.constant 0 : i32
    %dma_start3A_176 = tpu.memref_slice %arg6[%dma_start3A_174, %dma_start3A_175] : memref<100000x768xf32, #tpu.memory_space<hbm>> -> memref<100000x768xf32, #tpu.memory_space<hbm>>
    tpu.enqueue_indirect_dma source(%dma_start3A_176 : memref<100000x768xf32, #tpu.memory_space<hbm>>) target(%arg22 : memref<64x768xf32, #tpu.memory_space<vmem>>) offsets(%dma_start3A_173 : memref<64xi32, #tpu.memory_space<vmem>>) semaphore(%arg24 : memref<!tpu.dma_semaphore, #tpu.memory_space<semaphore_mem>>)
    %dma_wait3A_177 = arith.constant 1 : i32
    %dma_wait3A_178 = arith.constant 0 : i32
    %dma_wait3A_179 = tpu.memref_slice %arg21[%dma_wait3A_177, %dma_wait3A_178] : memref<2x64xi32, #tpu.memory_space<vmem>> -> memref<1x64xi32, #tpu.memory_space<vmem>>
    %dma_wait3A_180 = tpu.memref_squeeze %dma_wait3A_179 : memref<1x64xi32, #tpu.memory_space<vmem>> -> memref<64xi32, #tpu.memory_space<vmem>>
    %dma_wait3A_181 = arith.constant 0 : i32
    %dma_wait3A_182 = arith.constant 0 : i32
    %dma_wait3A_183 = tpu.memref_slice %arg5[%dma_wait3A_181, %dma_wait3A_182] : memref<100000x768xf32, #tpu.memory_space<hbm>> -> memref<100000x768xf32, #tpu.memory_space<hbm>>
    tpu.wait_indirect_dma semaphore(%arg25 : memref<!tpu.dma_semaphore, #tpu.memory_space<semaphore_mem>>) src(%dma_wait3A_183 : memref<100000x768xf32, #tpu.memory_space<hbm>>) dst(%arg23 : memref<64x768xf32, #tpu.memory_space<vmem>>)
    %add3A_184 = arith.constant 64 : i32
    %add3A_185 = arith.addi %mul3A_2, %add3A_184 : i32
    %dma_start3A_186 = arith.constant 0 : i32
    %dma_start3A_187 = tpu.memref_slice %arg11[%add3A_185, %dma_start3A_186] : memref<4096x768xf32, #tpu.memory_space<hbm>> -> memref<64x768xf32, #tpu.memory_space<hbm>>
    %dma_start3A_188 = arith.constant 0 : i32
    %dma_start3A_189 = tpu.memref_slice %arg11[%add3A_185, %dma_start3A_188] : memref<4096x768xf32, #tpu.memory_space<hbm>> -> memref<64x768xf32, #tpu.memory_space<hbm>>
    tpu.enqueue_dma source(%arg23 : memref<64x768xf32, #tpu.memory_space<vmem>>) target(%dma_start3A_189 : memref<64x768xf32, #tpu.memory_space<hbm>>) target_semaphore(%arg27 : memref<!tpu.dma_semaphore, #tpu.memory_space<semaphore_mem>>)
    %dma_start3A_190 = arith.constant 0 : i32
    %dma_start3A_191 = tpu.memref_slice %arg18[%add3A_185, %dma_start3A_190] : memref<4096x768xf32, #tpu.memory_space<hbm>> -> memref<64x768xf32, #tpu.memory_space<hbm>>
    %dma_start3A_192 = arith.constant 0 : i32
    %dma_start3A_193 = tpu.memref_slice %arg18[%add3A_185, %dma_start3A_192] : memref<4096x768xf32, #tpu.memory_space<hbm>> -> memref<64x768xf32, #tpu.memory_space<hbm>>
    tpu.enqueue_dma source(%arg23 : memref<64x768xf32, #tpu.memory_space<vmem>>) target(%dma_start3A_193 : memref<64x768xf32, #tpu.memory_space<hbm>>) target_semaphore(%arg27 : memref<!tpu.dma_semaphore, #tpu.memory_space<semaphore_mem>>)
    %dma_wait3A_194 = arith.constant 0 : i32
    %dma_wait3A_195 = tpu.memref_slice %arg11[%add3A_185, %dma_wait3A_194] : memref<4096x768xf32, #tpu.memory_space<hbm>> -> memref<64x768xf32, #tpu.memory_space<hbm>>
    %dma_wait3A_196 = arith.constant 0 : i32
    %dma_wait3A_197 = tpu.memref_slice %arg11[%add3A_185, %dma_wait3A_196] : memref<4096x768xf32, #tpu.memory_space<hbm>> -> memref<64x768xf32, #tpu.memory_space<hbm>>
    tpu.wait_dma2 semaphore(%arg27 : memref<!tpu.dma_semaphore, #tpu.memory_space<semaphore_mem>>) src(%arg23 : memref<64x768xf32, #tpu.memory_space<vmem>>) dst(%dma_wait3A_197 : memref<64x768xf32, #tpu.memory_space<hbm>>)
    %dma_wait3A_198 = arith.constant 0 : i32
    %dma_wait3A_199 = tpu.memref_slice %arg18[%add3A_185, %dma_wait3A_198] : memref<4096x768xf32, #tpu.memory_space<hbm>> -> memref<64x768xf32, #tpu.memory_space<hbm>>
    %dma_wait3A_200 = arith.constant 0 : i32
    %dma_wait3A_201 = tpu.memref_slice %arg18[%add3A_185, %dma_wait3A_200] : memref<4096x768xf32, #tpu.memory_space<hbm>> -> memref<64x768xf32, #tpu.memory_space<hbm>>
    tpu.wait_dma2 semaphore(%arg27 : memref<!tpu.dma_semaphore, #tpu.memory_space<semaphore_mem>>) src(%arg23 : memref<64x768xf32, #tpu.memory_space<vmem>>) dst(%dma_wait3A_201 : memref<64x768xf32, #tpu.memory_space<hbm>>)
    %dma_start3A_202 = arith.constant 1 : i32
    %dma_start3A_203 = arith.constant 0 : i32
    %dma_start3A_204 = tpu.memref_slice %arg21[%dma_start3A_202, %dma_start3A_203] : memref<2x64xi32, #tpu.memory_space<vmem>> -> memref<1x64xi32, #tpu.memory_space<vmem>>
    %dma_start3A_205 = tpu.memref_squeeze %dma_start3A_204 : memref<1x64xi32, #tpu.memory_space<vmem>> -> memref<64xi32, #tpu.memory_space<vmem>>
    %dma_start3A_206 = arith.constant 0 : i32
    %dma_start3A_207 = arith.constant 0 : i32
    %dma_start3A_208 = tpu.memref_slice %arg6[%dma_start3A_206, %dma_start3A_207] : memref<100000x768xf32, #tpu.memory_space<hbm>> -> memref<100000x768xf32, #tpu.memory_space<hbm>>
    tpu.enqueue_indirect_dma source(%dma_start3A_208 : memref<100000x768xf32, #tpu.memory_space<hbm>>) target(%arg23 : memref<64x768xf32, #tpu.memory_space<vmem>>) offsets(%dma_start3A_205 : memref<64xi32, #tpu.memory_space<vmem>>) semaphore(%arg25 : memref<!tpu.dma_semaphore, #tpu.memory_space<semaphore_mem>>)
    %dma_wait3A_209 = arith.constant 0 : i32
    %dma_wait3A_210 = arith.constant 0 : i32
    %dma_wait3A_211 = tpu.memref_slice %arg21[%dma_wait3A_209, %dma_wait3A_210] : memref<2x64xi32, #tpu.memory_space<vmem>> -> memref<1x64xi32, #tpu.memory_space<vmem>>
    %dma_wait3A_212 = tpu.memref_squeeze %dma_wait3A_211 : memref<1x64xi32, #tpu.memory_space<vmem>> -> memref<64xi32, #tpu.memory_space<vmem>>
    %dma_wait3A_213 = arith.constant 0 : i32
    %dma_wait3A_214 = arith.constant 0 : i32
    %dma_wait3A_215 = tpu.memref_slice %arg6[%dma_wait3A_213, %dma_wait3A_214] : memref<100000x768xf32, #tpu.memory_space<hbm>> -> memref<100000x768xf32, #tpu.memory_space<hbm>>
    tpu.wait_indirect_dma semaphore(%arg24 : memref<!tpu.dma_semaphore, #tpu.memory_space<semaphore_mem>>) src(%dma_wait3A_215 : memref<100000x768xf32, #tpu.memory_space<hbm>>) dst(%arg22 : memref<64x768xf32, #tpu.memory_space<vmem>>)
    %add3A_216 = arith.constant 0 : i32
    %add3A_217 = arith.addi %mul3A_2, %add3A_216 : i32
    %dma_start3A_218 = arith.constant 0 : i32
    %dma_start3A_219 = tpu.memref_slice %arg12[%add3A_217, %dma_start3A_218] : memref<4096x768xf32, #tpu.memory_space<hbm>> -> memref<64x768xf32, #tpu.memory_space<hbm>>
    %dma_start3A_220 = arith.constant 0 : i32
    %dma_start3A_221 = tpu.memref_slice %arg12[%add3A_217, %dma_start3A_220] : memref<4096x768xf32, #tpu.memory_space<hbm>> -> memref<64x768xf32, #tpu.memory_space<hbm>>
    tpu.enqueue_dma source(%arg22 : memref<64x768xf32, #tpu.memory_space<vmem>>) target(%dma_start3A_221 : memref<64x768xf32, #tpu.memory_space<hbm>>) target_semaphore(%arg26 : memref<!tpu.dma_semaphore, #tpu.memory_space<semaphore_mem>>)
    %dma_start3A_222 = arith.constant 0 : i32
    %dma_start3A_223 = tpu.memref_slice %arg17[%add3A_217, %dma_start3A_222] : memref<4096x768xf32, #tpu.memory_space<hbm>> -> memref<64x768xf32, #tpu.memory_space<hbm>>
    %dma_start3A_224 = arith.constant 0 : i32
    %dma_start3A_225 = tpu.memref_slice %arg17[%add3A_217, %dma_start3A_224] : memref<4096x768xf32, #tpu.memory_space<hbm>> -> memref<64x768xf32, #tpu.memory_space<hbm>>
    tpu.enqueue_dma source(%arg22 : memref<64x768xf32, #tpu.memory_space<vmem>>) target(%dma_start3A_225 : memref<64x768xf32, #tpu.memory_space<hbm>>) target_semaphore(%arg26 : memref<!tpu.dma_semaphore, #tpu.memory_space<semaphore_mem>>)
    %dma_wait3A_226 = arith.constant 0 : i32
    %dma_wait3A_227 = tpu.memref_slice %arg12[%add3A_217, %dma_wait3A_226] : memref<4096x768xf32, #tpu.memory_space<hbm>> -> memref<64x768xf32, #tpu.memory_space<hbm>>
    %dma_wait3A_228 = arith.constant 0 : i32
    %dma_wait3A_229 = tpu.memref_slice %arg12[%add3A_217, %dma_wait3A_228] : memref<4096x768xf32, #tpu.memory_space<hbm>> -> memref<64x768xf32, #tpu.memory_space<hbm>>
    tpu.wait_dma2 semaphore(%arg26 : memref<!tpu.dma_semaphore, #tpu.memory_space<semaphore_mem>>) src(%arg22 : memref<64x768xf32, #tpu.memory_space<vmem>>) dst(%dma_wait3A_229 : memref<64x768xf32, #tpu.memory_space<hbm>>)
    %dma_wait3A_230 = arith.constant 0 : i32
    %dma_wait3A_231 = tpu.memref_slice %arg17[%add3A_217, %dma_wait3A_230] : memref<4096x768xf32, #tpu.memory_space<hbm>> -> memref<64x768xf32, #tpu.memory_space<hbm>>
    %dma_wait3A_232 = arith.constant 0 : i32
    %dma_wait3A_233 = tpu.memref_slice %arg17[%add3A_217, %dma_wait3A_232] : memref<4096x768xf32, #tpu.memory_space<hbm>> -> memref<64x768xf32, #tpu.memory_space<hbm>>
    tpu.wait_dma2 semaphore(%arg26 : memref<!tpu.dma_semaphore, #tpu.memory_space<semaphore_mem>>) src(%arg22 : memref<64x768xf32, #tpu.memory_space<vmem>>) dst(%dma_wait3A_233 : memref<64x768xf32, #tpu.memory_space<hbm>>)
    %dma_start3A_234 = arith.constant 0 : i32
    %dma_start3A_235 = arith.constant 0 : i32
    %dma_start3A_236 = tpu.memref_slice %arg21[%dma_start3A_234, %dma_start3A_235] : memref<2x64xi32, #tpu.memory_space<vmem>> -> memref<1x64xi32, #tpu.memory_space<vmem>>
    %dma_start3A_237 = tpu.memref_squeeze %dma_start3A_236 : memref<1x64xi32, #tpu.memory_space<vmem>> -> memref<64xi32, #tpu.memory_space<vmem>>
    %dma_start3A_238 = arith.constant 0 : i32
    %dma_start3A_239 = arith.constant 0 : i32
    %dma_start3A_240 = tpu.memref_slice %arg7[%dma_start3A_238, %dma_start3A_239] : memref<100000x768xf32, #tpu.memory_space<hbm>> -> memref<100000x768xf32, #tpu.memory_space<hbm>>
    tpu.enqueue_indirect_dma source(%dma_start3A_240 : memref<100000x768xf32, #tpu.memory_space<hbm>>) target(%arg22 : memref<64x768xf32, #tpu.memory_space<vmem>>) offsets(%dma_start3A_237 : memref<64xi32, #tpu.memory_space<vmem>>) semaphore(%arg24 : memref<!tpu.dma_semaphore, #tpu.memory_space<semaphore_mem>>)
    %dma_wait3A_241 = arith.constant 1 : i32
    %dma_wait3A_242 = arith.constant 0 : i32
    %dma_wait3A_243 = tpu.memref_slice %arg21[%dma_wait3A_241, %dma_wait3A_242] : memref<2x64xi32, #tpu.memory_space<vmem>> -> memref<1x64xi32, #tpu.memory_space<vmem>>
    %dma_wait3A_244 = tpu.memref_squeeze %dma_wait3A_243 : memref<1x64xi32, #tpu.memory_space<vmem>> -> memref<64xi32, #tpu.memory_space<vmem>>
    %dma_wait3A_245 = arith.constant 0 : i32
    %dma_wait3A_246 = arith.constant 0 : i32
    %dma_wait3A_247 = tpu.memref_slice %arg6[%dma_wait3A_245, %dma_wait3A_246] : memref<100000x768xf32, #tpu.memory_space<hbm>> -> memref<100000x768xf32, #tpu.memory_space<hbm>>
    tpu.wait_indirect_dma semaphore(%arg25 : memref<!tpu.dma_semaphore, #tpu.memory_space<semaphore_mem>>) src(%dma_wait3A_247 : memref<100000x768xf32, #tpu.memory_space<hbm>>) dst(%arg23 : memref<64x768xf32, #tpu.memory_space<vmem>>)
    %add3A_248 = arith.constant 64 : i32
    %add3A_249 = arith.addi %mul3A_2, %add3A_248 : i32
    %dma_start3A_250 = arith.constant 0 : i32
    %dma_start3A_251 = tpu.memref_slice %arg12[%add3A_249, %dma_start3A_250] : memref<4096x768xf32, #tpu.memory_space<hbm>> -> memref<64x768xf32, #tpu.memory_space<hbm>>
    %dma_start3A_252 = arith.constant 0 : i32
    %dma_start3A_253 = tpu.memref_slice %arg12[%add3A_249, %dma_start3A_252] : memref<4096x768xf32, #tpu.memory_space<hbm>> -> memref<64x768xf32, #tpu.memory_space<hbm>>
    tpu.enqueue_dma source(%arg23 : memref<64x768xf32, #tpu.memory_space<vmem>>) target(%dma_start3A_253 : memref<64x768xf32, #tpu.memory_space<hbm>>) target_semaphore(%arg27 : memref<!tpu.dma_semaphore, #tpu.memory_space<semaphore_mem>>)
    %dma_start3A_254 = arith.constant 0 : i32
    %dma_start3A_255 = tpu.memref_slice %arg17[%add3A_249, %dma_start3A_254] : memref<4096x768xf32, #tpu.memory_space<hbm>> -> memref<64x768xf32, #tpu.memory_space<hbm>>
    %dma_start3A_256 = arith.constant 0 : i32
    %dma_start3A_257 = tpu.memref_slice %arg17[%add3A_249, %dma_start3A_256] : memref<4096x768xf32, #tpu.memory_space<hbm>> -> memref<64x768xf32, #tpu.memory_space<hbm>>
    tpu.enqueue_dma source(%arg23 : memref<64x768xf32, #tpu.memory_space<vmem>>) target(%dma_start3A_257 : memref<64x768xf32, #tpu.memory_space<hbm>>) target_semaphore(%arg27 : memref<!tpu.dma_semaphore, #tpu.memory_space<semaphore_mem>>)
    %dma_wait3A_258 = arith.constant 0 : i32
    %dma_wait3A_259 = tpu.memref_slice %arg12[%add3A_249, %dma_wait3A_258] : memref<4096x768xf32, #tpu.memory_space<hbm>> -> memref<64x768xf32, #tpu.memory_space<hbm>>
    %dma_wait3A_260 = arith.constant 0 : i32
    %dma_wait3A_261 = tpu.memref_slice %arg12[%add3A_249, %dma_wait3A_260] : memref<4096x768xf32, #tpu.memory_space<hbm>> -> memref<64x768xf32, #tpu.memory_space<hbm>>
    tpu.wait_dma2 semaphore(%arg27 : memref<!tpu.dma_semaphore, #tpu.memory_space<semaphore_mem>>) src(%arg23 : memref<64x768xf32, #tpu.memory_space<vmem>>) dst(%dma_wait3A_261 : memref<64x768xf32, #tpu.memory_space<hbm>>)
    %dma_wait3A_262 = arith.constant 0 : i32
    %dma_wait3A_263 = tpu.memref_slice %arg17[%add3A_249, %dma_wait3A_262] : memref<4096x768xf32, #tpu.memory_space<hbm>> -> memref<64x768xf32, #tpu.memory_space<hbm>>
    %dma_wait3A_264 = arith.constant 0 : i32
    %dma_wait3A_265 = tpu.memref_slice %arg17[%add3A_249, %dma_wait3A_264] : memref<4096x768xf32, #tpu.memory_space<hbm>> -> memref<64x768xf32, #tpu.memory_space<hbm>>
    tpu.wait_dma2 semaphore(%arg27 : memref<!tpu.dma_semaphore, #tpu.memory_space<semaphore_mem>>) src(%arg23 : memref<64x768xf32, #tpu.memory_space<vmem>>) dst(%dma_wait3A_265 : memref<64x768xf32, #tpu.memory_space<hbm>>)
    %dma_start3A_266 = arith.constant 1 : i32
    %dma_start3A_267 = arith.constant 0 : i32
    %dma_start3A_268 = tpu.memref_slice %arg21[%dma_start3A_266, %dma_start3A_267] : memref<2x64xi32, #tpu.memory_space<vmem>> -> memref<1x64xi32, #tpu.memory_space<vmem>>
    %dma_start3A_269 = tpu.memref_squeeze %dma_start3A_268 : memref<1x64xi32, #tpu.memory_space<vmem>> -> memref<64xi32, #tpu.memory_space<vmem>>
    %dma_start3A_270 = arith.constant 0 : i32
    %dma_start3A_271 = arith.constant 0 : i32
    %dma_start3A_272 = tpu.memref_slice %arg7[%dma_start3A_270, %dma_start3A_271] : memref<100000x768xf32, #tpu.memory_space<hbm>> -> memref<100000x768xf32, #tpu.memory_space<hbm>>
    tpu.enqueue_indirect_dma source(%dma_start3A_272 : memref<100000x768xf32, #tpu.memory_space<hbm>>) target(%arg23 : memref<64x768xf32, #tpu.memory_space<vmem>>) offsets(%dma_start3A_269 : memref<64xi32, #tpu.memory_space<vmem>>) semaphore(%arg25 : memref<!tpu.dma_semaphore, #tpu.memory_space<semaphore_mem>>)
    %dma_wait3A_273 = arith.constant 0 : i32
    %dma_wait3A_274 = arith.constant 0 : i32
    %dma_wait3A_275 = tpu.memref_slice %arg21[%dma_wait3A_273, %dma_wait3A_274] : memref<2x64xi32, #tpu.memory_space<vmem>> -> memref<1x64xi32, #tpu.memory_space<vmem>>
    %dma_wait3A_276 = tpu.memref_squeeze %dma_wait3A_275 : memref<1x64xi32, #tpu.memory_space<vmem>> -> memref<64xi32, #tpu.memory_space<vmem>>
    %dma_wait3A_277 = arith.constant 0 : i32
    %dma_wait3A_278 = arith.constant 0 : i32
    %dma_wait3A_279 = tpu.memref_slice %arg7[%dma_wait3A_277, %dma_wait3A_278] : memref<100000x768xf32, #tpu.memory_space<hbm>> -> memref<100000x768xf32, #tpu.memory_space<hbm>>
    tpu.wait_indirect_dma semaphore(%arg24 : memref<!tpu.dma_semaphore, #tpu.memory_space<semaphore_mem>>) src(%dma_wait3A_279 : memref<100000x768xf32, #tpu.memory_space<hbm>>) dst(%arg22 : memref<64x768xf32, #tpu.memory_space<vmem>>)
    %add3A_280 = arith.constant 0 : i32
    %add3A_281 = arith.addi %mul3A_2, %add3A_280 : i32
    %dma_start3A_282 = arith.constant 0 : i32
    %dma_start3A_283 = tpu.memref_slice %arg13[%add3A_281, %dma_start3A_282] : memref<4096x768xf32, #tpu.memory_space<hbm>> -> memref<64x768xf32, #tpu.memory_space<hbm>>
    %dma_start3A_284 = arith.constant 0 : i32
    %dma_start3A_285 = tpu.memref_slice %arg13[%add3A_281, %dma_start3A_284] : memref<4096x768xf32, #tpu.memory_space<hbm>> -> memref<64x768xf32, #tpu.memory_space<hbm>>
    tpu.enqueue_dma source(%arg22 : memref<64x768xf32, #tpu.memory_space<vmem>>) target(%dma_start3A_285 : memref<64x768xf32, #tpu.memory_space<hbm>>) target_semaphore(%arg26 : memref<!tpu.dma_semaphore, #tpu.memory_space<semaphore_mem>>)
    %dma_start3A_286 = arith.constant 0 : i32
    %dma_start3A_287 = tpu.memref_slice %arg16[%add3A_281, %dma_start3A_286] : memref<4096x768xf32, #tpu.memory_space<hbm>> -> memref<64x768xf32, #tpu.memory_space<hbm>>
    %dma_start3A_288 = arith.constant 0 : i32
    %dma_start3A_289 = tpu.memref_slice %arg16[%add3A_281, %dma_start3A_288] : memref<4096x768xf32, #tpu.memory_space<hbm>> -> memref<64x768xf32, #tpu.memory_space<hbm>>
    tpu.enqueue_dma source(%arg22 : memref<64x768xf32, #tpu.memory_space<vmem>>) target(%dma_start3A_289 : memref<64x768xf32, #tpu.memory_space<hbm>>) target_semaphore(%arg26 : memref<!tpu.dma_semaphore, #tpu.memory_space<semaphore_mem>>)
    %dma_wait3A_290 = arith.constant 0 : i32
    %dma_wait3A_291 = tpu.memref_slice %arg13[%add3A_281, %dma_wait3A_290] : memref<4096x768xf32, #tpu.memory_space<hbm>> -> memref<64x768xf32, #tpu.memory_space<hbm>>
    %dma_wait3A_292 = arith.constant 0 : i32
    %dma_wait3A_293 = tpu.memref_slice %arg13[%add3A_281, %dma_wait3A_292] : memref<4096x768xf32, #tpu.memory_space<hbm>> -> memref<64x768xf32, #tpu.memory_space<hbm>>
    tpu.wait_dma2 semaphore(%arg26 : memref<!tpu.dma_semaphore, #tpu.memory_space<semaphore_mem>>) src(%arg22 : memref<64x768xf32, #tpu.memory_space<vmem>>) dst(%dma_wait3A_293 : memref<64x768xf32, #tpu.memory_space<hbm>>)
    %dma_wait3A_294 = arith.constant 0 : i32
    %dma_wait3A_295 = tpu.memref_slice %arg16[%add3A_281, %dma_wait3A_294] : memref<4096x768xf32, #tpu.memory_space<hbm>> -> memref<64x768xf32, #tpu.memory_space<hbm>>
    %dma_wait3A_296 = arith.constant 0 : i32
    %dma_wait3A_297 = tpu.memref_slice %arg16[%add3A_281, %dma_wait3A_296] : memref<4096x768xf32, #tpu.memory_space<hbm>> -> memref<64x768xf32, #tpu.memory_space<hbm>>
    tpu.wait_dma2 semaphore(%arg26 : memref<!tpu.dma_semaphore, #tpu.memory_space<semaphore_mem>>) src(%arg22 : memref<64x768xf32, #tpu.memory_space<vmem>>) dst(%dma_wait3A_297 : memref<64x768xf32, #tpu.memory_space<hbm>>)
    %dma_start3A_298 = arith.constant 0 : i32
    %dma_start3A_299 = arith.constant 0 : i32
    %dma_start3A_300 = tpu.memref_slice %arg21[%dma_start3A_298, %dma_start3A_299] : memref<2x64xi32, #tpu.memory_space<vmem>> -> memref<1x64xi32, #tpu.memory_space<vmem>>
    %dma_start3A_301 = tpu.memref_squeeze %dma_start3A_300 : memref<1x64xi32, #tpu.memory_space<vmem>> -> memref<64xi32, #tpu.memory_space<vmem>>
    %dma_start3A_302 = arith.constant 0 : i32
    %dma_start3A_303 = arith.constant 0 : i32
    %dma_start3A_304 = tpu.memref_slice %arg8[%dma_start3A_302, %dma_start3A_303] : memref<100000x768xf32, #tpu.memory_space<hbm>> -> memref<100000x768xf32, #tpu.memory_space<hbm>>
    tpu.enqueue_indirect_dma source(%dma_start3A_304 : memref<100000x768xf32, #tpu.memory_space<hbm>>) target(%arg22 : memref<64x768xf32, #tpu.memory_space<vmem>>) offsets(%dma_start3A_301 : memref<64xi32, #tpu.memory_space<vmem>>) semaphore(%arg24 : memref<!tpu.dma_semaphore, #tpu.memory_space<semaphore_mem>>)
    %dma_wait3A_305 = arith.constant 1 : i32
    %dma_wait3A_306 = arith.constant 0 : i32
    %dma_wait3A_307 = tpu.memref_slice %arg21[%dma_wait3A_305, %dma_wait3A_306] : memref<2x64xi32, #tpu.memory_space<vmem>> -> memref<1x64xi32, #tpu.memory_space<vmem>>
    %dma_wait3A_308 = tpu.memref_squeeze %dma_wait3A_307 : memref<1x64xi32, #tpu.memory_space<vmem>> -> memref<64xi32, #tpu.memory_space<vmem>>
    %dma_wait3A_309 = arith.constant 0 : i32
    %dma_wait3A_310 = arith.constant 0 : i32
    %dma_wait3A_311 = tpu.memref_slice %arg7[%dma_wait3A_309, %dma_wait3A_310] : memref<100000x768xf32, #tpu.memory_space<hbm>> -> memref<100000x768xf32, #tpu.memory_space<hbm>>
    tpu.wait_indirect_dma semaphore(%arg25 : memref<!tpu.dma_semaphore, #tpu.memory_space<semaphore_mem>>) src(%dma_wait3A_311 : memref<100000x768xf32, #tpu.memory_space<hbm>>) dst(%arg23 : memref<64x768xf32, #tpu.memory_space<vmem>>)
    %add3A_312 = arith.constant 64 : i32
    %add3A_313 = arith.addi %mul3A_2, %add3A_312 : i32
    %dma_start3A_314 = arith.constant 0 : i32
    %dma_start3A_315 = tpu.memref_slice %arg13[%add3A_313, %dma_start3A_314] : memref<4096x768xf32, #tpu.memory_space<hbm>> -> memref<64x768xf32, #tpu.memory_space<hbm>>
    %dma_start3A_316 = arith.constant 0 : i32
    %dma_start3A_317 = tpu.memref_slice %arg13[%add3A_313, %dma_start3A_316] : memref<4096x768xf32, #tpu.memory_space<hbm>> -> memref<64x768xf32, #tpu.memory_space<hbm>>
    tpu.enqueue_dma source(%arg23 : memref<64x768xf32, #tpu.memory_space<vmem>>) target(%dma_start3A_317 : memref<64x768xf32, #tpu.memory_space<hbm>>) target_semaphore(%arg27 : memref<!tpu.dma_semaphore, #tpu.memory_space<semaphore_mem>>)
    %dma_start3A_318 = arith.constant 0 : i32
    %dma_start3A_319 = tpu.memref_slice %arg16[%add3A_313, %dma_start3A_318] : memref<4096x768xf32, #tpu.memory_space<hbm>> -> memref<64x768xf32, #tpu.memory_space<hbm>>
    %dma_start3A_320 = arith.constant 0 : i32
    %dma_start3A_321 = tpu.memref_slice %arg16[%add3A_313, %dma_start3A_320] : memref<4096x768xf32, #tpu.memory_space<hbm>> -> memref<64x768xf32, #tpu.memory_space<hbm>>
    tpu.enqueue_dma source(%arg23 : memref<64x768xf32, #tpu.memory_space<vmem>>) target(%dma_start3A_321 : memref<64x768xf32, #tpu.memory_space<hbm>>) target_semaphore(%arg27 : memref<!tpu.dma_semaphore, #tpu.memory_space<semaphore_mem>>)
    %dma_wait3A_322 = arith.constant 0 : i32
    %dma_wait3A_323 = tpu.memref_slice %arg13[%add3A_313, %dma_wait3A_322] : memref<4096x768xf32, #tpu.memory_space<hbm>> -> memref<64x768xf32, #tpu.memory_space<hbm>>
    %dma_wait3A_324 = arith.constant 0 : i32
    %dma_wait3A_325 = tpu.memref_slice %arg13[%add3A_313, %dma_wait3A_324] : memref<4096x768xf32, #tpu.memory_space<hbm>> -> memref<64x768xf32, #tpu.memory_space<hbm>>
    tpu.wait_dma2 semaphore(%arg27 : memref<!tpu.dma_semaphore, #tpu.memory_space<semaphore_mem>>) src(%arg23 : memref<64x768xf32, #tpu.memory_space<vmem>>) dst(%dma_wait3A_325 : memref<64x768xf32, #tpu.memory_space<hbm>>)
    %dma_wait3A_326 = arith.constant 0 : i32
    %dma_wait3A_327 = tpu.memref_slice %arg16[%add3A_313, %dma_wait3A_326] : memref<4096x768xf32, #tpu.memory_space<hbm>> -> memref<64x768xf32, #tpu.memory_space<hbm>>
    %dma_wait3A_328 = arith.constant 0 : i32
    %dma_wait3A_329 = tpu.memref_slice %arg16[%add3A_313, %dma_wait3A_328] : memref<4096x768xf32, #tpu.memory_space<hbm>> -> memref<64x768xf32, #tpu.memory_space<hbm>>
    tpu.wait_dma2 semaphore(%arg27 : memref<!tpu.dma_semaphore, #tpu.memory_space<semaphore_mem>>) src(%arg23 : memref<64x768xf32, #tpu.memory_space<vmem>>) dst(%dma_wait3A_329 : memref<64x768xf32, #tpu.memory_space<hbm>>)
    %dma_start3A_330 = arith.constant 1 : i32
    %dma_start3A_331 = arith.constant 0 : i32
    %dma_start3A_332 = tpu.memref_slice %arg21[%dma_start3A_330, %dma_start3A_331] : memref<2x64xi32, #tpu.memory_space<vmem>> -> memref<1x64xi32, #tpu.memory_space<vmem>>
    %dma_start3A_333 = tpu.memref_squeeze %dma_start3A_332 : memref<1x64xi32, #tpu.memory_space<vmem>> -> memref<64xi32, #tpu.memory_space<vmem>>
    %dma_start3A_334 = arith.constant 0 : i32
    %dma_start3A_335 = arith.constant 0 : i32
    %dma_start3A_336 = tpu.memref_slice %arg8[%dma_start3A_334, %dma_start3A_335] : memref<100000x768xf32, #tpu.memory_space<hbm>> -> memref<100000x768xf32, #tpu.memory_space<hbm>>
    tpu.enqueue_indirect_dma source(%dma_start3A_336 : memref<100000x768xf32, #tpu.memory_space<hbm>>) target(%arg23 : memref<64x768xf32, #tpu.memory_space<vmem>>) offsets(%dma_start3A_333 : memref<64xi32, #tpu.memory_space<vmem>>) semaphore(%arg25 : memref<!tpu.dma_semaphore, #tpu.memory_space<semaphore_mem>>)
    %dma_wait3A_337 = arith.constant 0 : i32
    %dma_wait3A_338 = arith.constant 0 : i32
    %dma_wait3A_339 = tpu.memref_slice %arg21[%dma_wait3A_337, %dma_wait3A_338] : memref<2x64xi32, #tpu.memory_space<vmem>> -> memref<1x64xi32, #tpu.memory_space<vmem>>
    %dma_wait3A_340 = tpu.memref_squeeze %dma_wait3A_339 : memref<1x64xi32, #tpu.memory_space<vmem>> -> memref<64xi32, #tpu.memory_space<vmem>>
    %dma_wait3A_341 = arith.constant 0 : i32
    %dma_wait3A_342 = arith.constant 0 : i32
    %dma_wait3A_343 = tpu.memref_slice %arg8[%dma_wait3A_341, %dma_wait3A_342] : memref<100000x768xf32, #tpu.memory_space<hbm>> -> memref<100000x768xf32, #tpu.memory_space<hbm>>
    tpu.wait_indirect_dma semaphore(%arg24 : memref<!tpu.dma_semaphore, #tpu.memory_space<semaphore_mem>>) src(%dma_wait3A_343 : memref<100000x768xf32, #tpu.memory_space<hbm>>) dst(%arg22 : memref<64x768xf32, #tpu.memory_space<vmem>>)
    %add3A_344 = arith.constant 0 : i32
    %add3A_345 = arith.addi %mul3A_2, %add3A_344 : i32
    %dma_start3A_346 = arith.constant 0 : i32
    %dma_start3A_347 = tpu.memref_slice %arg14[%add3A_345, %dma_start3A_346] : memref<4096x768xf32, #tpu.memory_space<hbm>> -> memref<64x768xf32, #tpu.memory_space<hbm>>
    %dma_start3A_348 = arith.constant 0 : i32
    %dma_start3A_349 = tpu.memref_slice %arg14[%add3A_345, %dma_start3A_348] : memref<4096x768xf32, #tpu.memory_space<hbm>> -> memref<64x768xf32, #tpu.memory_space<hbm>>
    tpu.enqueue_dma source(%arg22 : memref<64x768xf32, #tpu.memory_space<vmem>>) target(%dma_start3A_349 : memref<64x768xf32, #tpu.memory_space<hbm>>) target_semaphore(%arg26 : memref<!tpu.dma_semaphore, #tpu.memory_space<semaphore_mem>>)
    %dma_start3A_350 = arith.constant 0 : i32
    %dma_start3A_351 = tpu.memref_slice %arg15[%add3A_345, %dma_start3A_350] : memref<4096x768xf32, #tpu.memory_space<hbm>> -> memref<64x768xf32, #tpu.memory_space<hbm>>
    %dma_start3A_352 = arith.constant 0 : i32
    %dma_start3A_353 = tpu.memref_slice %arg15[%add3A_345, %dma_start3A_352] : memref<4096x768xf32, #tpu.memory_space<hbm>> -> memref<64x768xf32, #tpu.memory_space<hbm>>
    tpu.enqueue_dma source(%arg22 : memref<64x768xf32, #tpu.memory_space<vmem>>) target(%dma_start3A_353 : memref<64x768xf32, #tpu.memory_space<hbm>>) target_semaphore(%arg26 : memref<!tpu.dma_semaphore, #tpu.memory_space<semaphore_mem>>)
    %dma_wait3A_354 = arith.constant 1 : i32
    %dma_wait3A_355 = arith.constant 0 : i32
    %dma_wait3A_356 = tpu.memref_slice %arg21[%dma_wait3A_354, %dma_wait3A_355] : memref<2x64xi32, #tpu.memory_space<vmem>> -> memref<1x64xi32, #tpu.memory_space<vmem>>
    %dma_wait3A_357 = tpu.memref_squeeze %dma_wait3A_356 : memref<1x64xi32, #tpu.memory_space<vmem>> -> memref<64xi32, #tpu.memory_space<vmem>>
    %dma_wait3A_358 = arith.constant 0 : i32
    %dma_wait3A_359 = arith.constant 0 : i32
    %dma_wait3A_360 = tpu.memref_slice %arg8[%dma_wait3A_358, %dma_wait3A_359] : memref<100000x768xf32, #tpu.memory_space<hbm>> -> memref<100000x768xf32, #tpu.memory_space<hbm>>
    tpu.wait_indirect_dma semaphore(%arg25 : memref<!tpu.dma_semaphore, #tpu.memory_space<semaphore_mem>>) src(%dma_wait3A_360 : memref<100000x768xf32, #tpu.memory_space<hbm>>) dst(%arg23 : memref<64x768xf32, #tpu.memory_space<vmem>>)
    %add3A_361 = arith.constant 64 : i32
    %add3A_362 = arith.addi %mul3A_2, %add3A_361 : i32
    %dma_start3A_363 = arith.constant 0 : i32
    %dma_start3A_364 = tpu.memref_slice %arg14[%add3A_362, %dma_start3A_363] : memref<4096x768xf32, #tpu.memory_space<hbm>> -> memref<64x768xf32, #tpu.memory_space<hbm>>
    %dma_start3A_365 = arith.constant 0 : i32
    %dma_start3A_366 = tpu.memref_slice %arg14[%add3A_362, %dma_start3A_365] : memref<4096x768xf32, #tpu.memory_space<hbm>> -> memref<64x768xf32, #tpu.memory_space<hbm>>
    tpu.enqueue_dma source(%arg23 : memref<64x768xf32, #tpu.memory_space<vmem>>) target(%dma_start3A_366 : memref<64x768xf32, #tpu.memory_space<hbm>>) target_semaphore(%arg27 : memref<!tpu.dma_semaphore, #tpu.memory_space<semaphore_mem>>)
    %dma_start3A_367 = arith.constant 0 : i32
    %dma_start3A_368 = tpu.memref_slice %arg15[%add3A_362, %dma_start3A_367] : memref<4096x768xf32, #tpu.memory_space<hbm>> -> memref<64x768xf32, #tpu.memory_space<hbm>>
    %dma_start3A_369 = arith.constant 0 : i32
    %dma_start3A_370 = tpu.memref_slice %arg15[%add3A_362, %dma_start3A_369] : memref<4096x768xf32, #tpu.memory_space<hbm>> -> memref<64x768xf32, #tpu.memory_space<hbm>>
    tpu.enqueue_dma source(%arg23 : memref<64x768xf32, #tpu.memory_space<vmem>>) target(%dma_start3A_370 : memref<64x768xf32, #tpu.memory_space<hbm>>) target_semaphore(%arg27 : memref<!tpu.dma_semaphore, #tpu.memory_space<semaphore_mem>>)
    %dma_wait3A_371 = arith.constant 0 : i32
    %dma_wait3A_372 = tpu.memref_slice %arg14[%add3A_345, %dma_wait3A_371] : memref<4096x768xf32, #tpu.memory_space<hbm>> -> memref<64x768xf32, #tpu.memory_space<hbm>>
    %dma_wait3A_373 = arith.constant 0 : i32
    %dma_wait3A_374 = tpu.memref_slice %arg14[%add3A_345, %dma_wait3A_373] : memref<4096x768xf32, #tpu.memory_space<hbm>> -> memref<64x768xf32, #tpu.memory_space<hbm>>
    tpu.wait_dma2 semaphore(%arg26 : memref<!tpu.dma_semaphore, #tpu.memory_space<semaphore_mem>>) src(%arg22 : memref<64x768xf32, #tpu.memory_space<vmem>>) dst(%dma_wait3A_374 : memref<64x768xf32, #tpu.memory_space<hbm>>)
    %dma_wait3A_375 = arith.constant 0 : i32
    %dma_wait3A_376 = tpu.memref_slice %arg15[%add3A_345, %dma_wait3A_375] : memref<4096x768xf32, #tpu.memory_space<hbm>> -> memref<64x768xf32, #tpu.memory_space<hbm>>
    %dma_wait3A_377 = arith.constant 0 : i32
    %dma_wait3A_378 = tpu.memref_slice %arg15[%add3A_345, %dma_wait3A_377] : memref<4096x768xf32, #tpu.memory_space<hbm>> -> memref<64x768xf32, #tpu.memory_space<hbm>>
    tpu.wait_dma2 semaphore(%arg26 : memref<!tpu.dma_semaphore, #tpu.memory_space<semaphore_mem>>) src(%arg22 : memref<64x768xf32, #tpu.memory_space<vmem>>) dst(%dma_wait3A_378 : memref<64x768xf32, #tpu.memory_space<hbm>>)
    %dma_wait3A_379 = arith.constant 0 : i32
    %dma_wait3A_380 = tpu.memref_slice %arg14[%add3A_362, %dma_wait3A_379] : memref<4096x768xf32, #tpu.memory_space<hbm>> -> memref<64x768xf32, #tpu.memory_space<hbm>>
    %dma_wait3A_381 = arith.constant 0 : i32
    %dma_wait3A_382 = tpu.memref_slice %arg14[%add3A_362, %dma_wait3A_381] : memref<4096x768xf32, #tpu.memory_space<hbm>> -> memref<64x768xf32, #tpu.memory_space<hbm>>
    tpu.wait_dma2 semaphore(%arg27 : memref<!tpu.dma_semaphore, #tpu.memory_space<semaphore_mem>>) src(%arg23 : memref<64x768xf32, #tpu.memory_space<vmem>>) dst(%dma_wait3A_382 : memref<64x768xf32, #tpu.memory_space<hbm>>)
    %dma_wait3A_383 = arith.constant 0 : i32
    %dma_wait3A_384 = tpu.memref_slice %arg15[%add3A_362, %dma_wait3A_383] : memref<4096x768xf32, #tpu.memory_space<hbm>> -> memref<64x768xf32, #tpu.memory_space<hbm>>
    %dma_wait3A_385 = arith.constant 0 : i32
    %dma_wait3A_386 = tpu.memref_slice %arg15[%add3A_362, %dma_wait3A_385] : memref<4096x768xf32, #tpu.memory_space<hbm>> -> memref<64x768xf32, #tpu.memory_space<hbm>>
    tpu.wait_dma2 semaphore(%arg27 : memref<!tpu.dma_semaphore, #tpu.memory_space<semaphore_mem>>) src(%arg23 : memref<64x768xf32, #tpu.memory_space<vmem>>) dst(%dma_wait3A_386 : memref<64x768xf32, #tpu.memory_space<hbm>>)
    return
  }
}

</mosaic_0001>

<sc_bundles>
// kernel: kernel.3.cloned.1.call-start
scs
__scs_entry_jumppad:
0x0: {  	(pc) =	sbr.rel $0x88, $3  }
0x1: {  	(tag) =	ssettag $0x0;
	lr =	simm.s32 $0x1  }
0x2: {  	[smem:$0x3F9A] =	sst lr;
	_ =	strace $0xD0000000  }
0x3: {  	_ = 	snop  }
0x4: {  	_ = 	snop  }
0x5: {  	_ = 	snop  }
0x6: {  	_ = 	snop  }
0x7: {  	_ = 	snop  }
__scs_overlays_trampoline_lowered:
0x8: {  	[smem:$0x3FA9] =	sst s0  }
0x9: {  	[smem:$0x3FAA] =	sst s1  }
0xa: {  	[smem:$0x3FAB] =	sst s2  }
0xb: {  	[smem:$0x3FAC] =	sst s3  }
0xc: {  	[smem:$0x3FAD] =	sst s4  }
0xd: {  	[smem:$0x3FAE] =	sst s5  }
0xe: {  	[smem:$0x3FAF] =	sst s6  }
0xf: {  	[smem:$0x3FB0] =	sst s7  }
0x10: {  	[smem:$0x3FB1] =	sst s8  }
0x11: {  	[smem:$0x3FB2] =	sst s9;
	s0 =	simm.s32 @!p0 $0x0  }
0x12: {  	s1 =	sld [smem:$0x3F98];
	s0 =	simm.s32 @p0 $0x1  }
0x13: {  	[smem:$0x3FB3] =	sst s0;
	s0 =	simm.s32 @!p1 $0x0  }
0x14: {  	s2 =	sld [smem:$0x3F97];
	s0 =	simm.s32 @p1 $0x1  }
0x15: {  	[smem:$0x3FB4] =	sst s0;
	s0 =	simm.s32 @!p2 $0x0  }
0x16: {  	s3 =	sld [smem:$0x3FDB];
	s0 =	simm.s32 @p2 $0x1  }
0x17: {  	s4 =	simm.s32 $0x1BF5;
	[smem:$0x3FB6] =	sst s0  }
0x18: {  	s0 =	sld [smem:$0x3F99];
	_ =	swait.ge [sflag:s4], $0x0  }
0x19: {  	s7 =	sld [smem:$0x3F9A]  }
0x1a: {  	s8 =	sadd.s32 $0xFFFFE003, lr  }
0x1b: {  	s9 =	sadd.s32 $0xFFFFFEF7, lr;
	s5 =	simm.s32 $0xFFFFFFFF;
	p2 =	slt.u32 s8, $0xFFFFF086  }
0x1c: {  	p1 =	slt.u32 s9, $0xF7A;
	s5 =	simm.s32 @!p2 $0x0  }
0x1d: {  	s5 =	simm.s32 @p1 $0x1;
	p0 =	seq.s32 s7, s2  }
0x1e: {  	s7 =	smul.u32 @!p0 $0xF7A, s2;
	p2 =	seq.s32 @!p0 s5, $0x0  }
0x1f: {  	s9 =	smul.u32 $0xF7A, s1;
	s8 =	simm.s32 @!p0 $0x1BF5;
	p2 =	por !p2, p0  }
0x20: {  	[sflag:s8] =	ssyncset.s32 @!p0 $0xFFFFF086;
	s6 =	sadd.s32 @!p0 s3, s7;
	s7 =	simm.s32 @!p0 $0x108  }
0x21: {  	s3 =	sadd.s32 s3, s9;
	s6 =	sadd.s32 @!p0 $0x88, s6;
	s7 =	simm.s32 @p2 $0x1082  }
0x22: {  	[simem:s7], [sflag:s8] =	dma.local @!p0 [hbm:s6], $0xF7A  }
0x23: {  	s9 =	sor.u32 $0xD0000000, s2;
	s6 =	simm.s32 $0x108;
	_ =	swait.ge @!p0 [sflag:s8], $0x0  }
0x24: {  	s3 =	sadd.s32 $0x88, s3;
	s6 =	simm.s32 @!p1 $0x1082;
	[sflag:s4] =	ssyncset.s32 $0xFFFFF086  }
0x25: {  	[simem:s6], [sflag:s4] =	dma.local [hbm:s3], $0xF7A  }
0x26: {  	[smem:$0x3F9A] =	sst s1;
	(tag) =	ssettag s2;
	_ =	strace s9  }
0x27: {  	s1 =	sld [smem:$0x3FAA]  }
0x28: {  	s2 =	sld [smem:$0x3FAB]  }
0x29: {  	s4 =	sld [smem:$0x3FAD]  }
0x2a: {  	p0 =	seq.s32 s5, $0x0;
	s5 =	sld [smem:$0x3FAE]  }
0x2b: {  	s6 =	sld [smem:$0x3FAF]  }
0x2c: {  	s7 =	sld [smem:$0x3FB0]  }
0x2d: {  	s3 =	simm.s32 $0x108;
	s8 =	sld [smem:$0x3FB1]  }
0x2e: {  	s3 =	simm.s32 @!p0 $0x1082;
	s9 =	sld [smem:$0x3FB2]  }
0x2f: {  	lr =	sadd.s32 s0, s3;
	s0 =	sld [smem:$0x3FA9]  }
0x30: {  	s3 =	sld [smem:$0x3FAC]  }
0x31: {  	[smem:$0x3FB5] =	sst s10  }
0x32: {  	s10 =	sld [smem:$0x3FB3];
	_ =	sdelay $0x3  }
0x33: {  	p0 =	seq.s32 s10, $0x1;
	s10 =	sld [smem:$0x3FB5];
	_ =	sdelay $0x3  }
0x34: {  	[smem:$0x3FB5] =	sst s10  }
0x35: {  	s10 =	sld [smem:$0x3FB4];
	_ =	sdelay $0x3  }
0x36: {  	p1 =	seq.s32 s10, $0x1;
	s10 =	sld [smem:$0x3FB5];
	_ =	sdelay $0x3  }
0x37: {  	[smem:$0x3FB5] =	sst s10  }
0x38: {  	s10 =	sld [smem:$0x3FB6]  }
0x39: {  	_ = 	snop;
	(pc) =	sbr.ind lr, $3  }
0x3a: {  	_ = 	snop  }
0x3b: {  	_ = 	snop  }
0x3c: {  	p2 =	seq.s32 s10, $0x1;
	s10 =	sld [smem:$0x3FB5]  }
0x3d: {  	_ =	shalt  }
0x3e: {  	_ =	shalt  }
0x3f: {  	_ =	shalt  }
0x40: {  	_ =	shalt  }
0x41: {  	_ =	shalt  }
0x42: {  	_ =	shalt  }
0x43: {  	_ =	shalt  }
0x44: {  	_ =	shalt  }
0x45: {  	_ =	shalt  }
0x46: {  	_ =	shalt  }
0x47: {  	_ =	shalt  }
0x48: {  	_ =	shalt  }
0x49: {  	_ =	shalt  }
0x4a: {  	_ =	shalt  }
0x4b: {  	_ =	shalt  }
0x4c: {  	_ =	shalt  }
0x4d: {  	_ =	shalt  }
0x4e: {  	_ =	shalt  }
0x4f: {  	_ =	shalt  }
0x50: {  	_ =	shalt  }
0x51: {  	_ =	shalt  }
0x52: {  	_ =	shalt  }
0x53: {  	_ =	shalt  }
0x54: {  	_ =	shalt  }
0x55: {  	_ =	shalt  }
0x56: {  	_ =	shalt  }
0x57: {  	_ =	shalt  }
0x58: {  	_ =	shalt  }
0x59: {  	_ =	shalt  }
0x5a: {  	_ =	shalt  }
0x5b: {  	_ =	shalt  }
0x5c: {  	_ =	shalt  }
0x5d: {  	_ =	shalt  }
0x5e: {  	_ =	shalt  }
0x5f: {  	_ =	shalt  }
0x60: {  	_ =	shalt  }
0x61: {  	_ =	shalt  }
0x62: {  	_ =	shalt  }
0x63: {  	_ =	shalt  }
0x64: {  	_ =	shalt  }
0x65: {  	_ =	shalt  }
0x66: {  	_ =	shalt  }
0x67: {  	_ =	shalt  }
0x68: {  	_ =	shalt  }
0x69: {  	_ =	shalt  }
0x6a: {  	_ =	shalt  }
0x6b: {  	_ =	shalt  }
0x6c: {  	_ =	shalt  }
0x6d: {  	_ =	shalt  }
0x6e: {  	_ =	shalt  }
0x6f: {  	_ =	shalt  }
0x70: {  	_ =	shalt  }
0x71: {  	_ =	shalt  }
0x72: {  	_ =	shalt  }
0x73: {  	_ =	shalt  }
0x74: {  	_ =	shalt  }
0x75: {  	_ =	shalt  }
0x76: {  	_ =	shalt  }
0x77: {  	_ =	shalt  }
0x78: {  	_ =	shalt  }
0x79: {  	_ =	shalt  }
0x7a: {  	_ =	shalt  }
0x7b: {  	_ =	shalt  }
0x7c: {  	_ =	shalt  }
0x7d: {  	_ =	shalt  }
0x7e: {  	_ =	shalt  }
0x7f: {  	_ =	shalt  }
0x80: {  	_ =	shalt  }
0x81: {  	_ =	shalt  }
0x82: {  	_ =	shalt  }
0x83: {  	_ =	shalt  }
0x84: {  	_ =	shalt  }
0x85: {  	_ =	shalt  }
0x86: {  	_ =	shalt  }
0x87: {  	_ =	shalt  }
.Lfunc_end0:
.L_simem_size_0:
called_computation_lowered:
.L_overlay_start_0:
0x88: {  	s2 =	sld [smem:$0x3FD9]  }
0x89: {  	s3 =	sld [smem:$0x3FFE];
	_ =	sdelay $0x1  }
0x8a: {  	s1 =	srdreg.scid  }
0x8b: {  	s0 =	sand.u32 $0x1, s1  }
0x8c: {  	s28 =	sshll.u32 s0, $0xA;
	s2 =	sadd.s32 s3, s2  }
0x8d: {  	s2 =	sadd.s32 s2, s28  }
0x8e: {  	[smem:$0x3FC1] =	sst s2  }
0x8f: {  	_ = 	snop  }
0x90: {  	s2 =	sld [smem:$0x3FC8]  }
0x91: {  	s3 =	sld [smem:$0x3FC7]  }
0x92: {  	s4 =	sld [smem:$0x3FC6]  }
0x93: {  	s15 =	sld [smem:$0x3FD0]  }
0x94: {  	s5 =	sld [smem:$0x3FC5]  }
0x95: {  	s6 =	sld [smem:$0x3FC4]  }
0x96: {  	s19 =	simm.s32 $0xA;
	s17 =	simm.s32 $0x10;
	s7 =	sld [smem:$0x3FC3]  }
0x97: {  	[smem:s17], [sflag:s19] =	dma.local [hbm:s15], $0x1  }
0x98: {  	_ =	swait.eq [sflag:s19], $0x1  }
0x99: {  	s8 =	sld [smem:$0x10]  }
0x9a: {  	s9 =	sld [smem:$0x11]  }
0x9b: {  	s10 =	sld [smem:$0x12]  }
0x9c: {  	s11 =	sld [smem:$0x13]  }
0x9d: {  	s12 =	sld [smem:$0x14]  }
0x9e: {  	s13 =	sld [smem:$0x15];
	[sflag:s19] =	ssyncset.done $0x0  }
0x9f: {  	s14 =	sld [smem:$0x16];
	[sflag:s19] =	ssyncadd.s32 $0xFFFFFFFF  }
0xa0: {  	s15 =	sadd.s32 $0x1, s15;
	s16 =	sld [smem:$0x17]  }
0xa1: {  	[smem:s17], [sflag:s19] =	dma.local [hbm:s15], $0x1  }
0xa2: {  	_ =	swait.eq [sflag:s19], $0x1  }
0xa3: {  	s17 =	sld [smem:$0x10]  }
0xa4: {  	s18 =	sld [smem:$0x11];
	[sflag:s19] =	ssyncset.done $0x0  }
0xa5: {  	s20 =	sld [smem:$0x12];
	[sflag:s19] =	ssyncadd.s32 $0xFFFFFFFF  }
0xa6: {  	s19 =	sld [smem:$0x13];
	(tm) =	ssettm $0x1  }
0xa7: {  	s29 =	sld [smem:$0x3FFB];
	_ =	sdelay $0x3  }
0xa8: {  	_ =	strace s29  }
0xa9: {  	s15 =	sld [smem:$0x3FFC];
	_ =	sdelay $0x3  }
0xaa: {  	_ =	strace s15  }
0xab: {  	s15 =	sld [smem:$0x3FFD];
	_ =	sdelay $0x3  }
0xac: {  	_ =	strace s15  }
0xad: {  	_ =	strace $0x8FFFFFFF  }
0xae: {  	s30 =	sld [smem:$0x3FDB];
	_ =	sdelay $0x1  }
0xaf: {  	s21 =	simm.s32 $_scs_section_size  }
0xb0: {  	s22 =	simm.s32 $_size__tile_task_arg_handler_lowered;
	s23 =	simm.s32 $_tile_task_arg_handler_lowered  }
0xb1: {  	s26 =	simm.s32 $0x1BFF;
	s25 =	sshll.u32 s23, $0x1;
	s21 =	sadd.s32 s21, s30  }
0xb2: {  	s24 =	simm.s32 $0x60;
	s31 =	sshll.u32 s22, $0x1;
	s22 =	sadd.s32 s25, s21  }
0xb3: {  	[timem:s24], [sflag:s26] =	dma.local [hbm:s22], s31  }
0xb4: {  	_ =	swait.ge [sflag:s26], s31  }
0xb5: {  	s28 =	simm.s32 $_tile_overlayer_lowered;
	s15 =	ssub.s32 $0x0, s31;
	[sflag:s26] =	ssyncset.done $0x0  }
0xb6: {  	s29 =	simm.s32 $_size__tile_overlayer_lowered;
	s22 =	sshll.u32 s28, $0x1;
	[sflag:s26] =	ssyncadd.s32 s15  }
0xb7: {  	s30 =	sshll.u32 s29, $0x1;
	s22 =	sadd.s32 s22, s21;
	s15 =	simm.s32 $0x0  }
0xb8: {  	[timem:s15], [sflag:s26] =	dma.local [hbm:s22], s30  }
0xb9: {  	_ =	swait.ge [sflag:s26], s30  }
0xba: {  	s31 =	ssub.s32 $0x0, s30;
	[sflag:s26] =	ssyncset.done $0x0  }
0xbb: {  	[sflag:s26] =	ssyncadd.s32 s31;
	_ =	sdelay $0x1  }
0xbc: {  	s23 =	simm.s32 $0x1B8B  }
0xbd: {  	_ =	swait.ge [sflag:s23], $0x1  }
0xbe: {  	[sflag:s23] =	ssyncset.done $0x0  }
0xbf: {  	s25 =	simm.s32 $0x1B8E;
	s24 =	sld [smem:$0x3FFE];
	[sflag:s23] =	ssyncadd.s32 $0xFFFFFFFF  }
0xc0: {  	s26 =	simm.s32 $execute0_lowered;
	[smem:$0x3FD2] =	sst s25  }
0xc1: {  	s23 =	sshll.u32 s26, $0x1;
	_ =	strace $0x80000046;
	[dreg:$0x1] =	wrdreg $0xFFFFFFFF  }
0xc2: {  	s28 =	simm.s32 $_size_execute0_lowered;
	s21 =	sadd.s32 s21, s23;
	[dreg:$0x0] =	wrdreg $0x0  }
0xc3: {  	s23 =	sshll.u32 s28, $0x1;
	[dreg:$0x2] =	wrdreg s21  }
0xc4: {  	[dreg:$0x3] =	wrdreg s23  }
0xc5: {  	[dreg:$0x4] =	wrdreg $0xC0  }
0xc6: {  	_ =	task [dreg:s15], $0x5FFFF  }
0xc7: {  	[dreg:$0x1] =	wrdreg $0xFFFFFFFF  }
0xc8: {  	[dreg:$0x0] =	wrdreg $0x30  }
0xc9: {  	[dreg:$0x2] =	wrdreg $0x0  }
0xca: {  	[dreg:$0x3] =	wrdreg s16  }
0xcb: {  	[dreg:$0x4] =	wrdreg s17  }
0xcc: {  	[dreg:$0x5] =	wrdreg s18  }
0xcd: {  	[dreg:$0x6] =	wrdreg s20  }
0xce: {  	[dreg:$0x7] =	wrdreg s19  }
0xcf: {  	[dreg:$0x8] =	wrdreg $0x9  }
0xd0: {  	_ =	task [dreg:s15], $0x9FFFF  }
0xd1: {  	[dreg:$0x1] =	wrdreg $0xFFFFFFFF  }
0xd2: {  	[dreg:$0x0] =	wrdreg $0x60  }
0xd3: {  	[dreg:$0x2] =	wrdreg s24  }
0xd4: {  	[dreg:$0x3] =	wrdreg s2  }
0xd5: {  	[dreg:$0x4] =	wrdreg s3  }
0xd6: {  	[dreg:$0x5] =	wrdreg s4  }
0xd7: {  	[dreg:$0x6] =	wrdreg s5  }
0xd8: {  	[dreg:$0x7] =	wrdreg s6  }
0xd9: {  	[dreg:$0x8] =	wrdreg s7  }
0xda: {  	[dreg:$0x9] =	wrdreg s8  }
0xdb: {  	[dreg:$0xa] =	wrdreg s9  }
0xdc: {  	[dreg:$0xb] =	wrdreg s10  }
0xdd: {  	[dreg:$0xc] =	wrdreg s11  }
0xde: {  	[dreg:$0xd] =	wrdreg s12  }
0xdf: {  	[dreg:$0xe] =	wrdreg s13  }
0xe0: {  	[dreg:$0xf] =	wrdreg s14  }
0xe1: {  	_ =	task.clear_ibuf [dreg:s15], $0x10FFFF;
	_ =	strace $0x90000046  }
0xe2: {  	s29 =	simm.s32 $0x9;
	_ =	strace $0x80000048  }
0xe3: {  	_ =	swait.ge [sflag:s29], $0x1  }
0xe4: {  	[sflag:s29] =	ssyncadd.s32 $0xFFFFFFFF  }
0xe5: {  	_ =	strace $0x90000048  }
0xe6: {  	_ =	sfence  }
0xe7: {  	s30 =	sld [smem:$0x0];
	_ =	sdelay $0x2  }
0xe8: {  	s31 =	sshll.u32 s1, $0xD;
	s1 =	sshrl.u32 s1, $0x2  }
0xe9: {  	s3 =	sand.u32 $0x4000, s31;
	s1 =	sadd.s32 s1, s30  }
0xea: {  	s0 =	sor.u32 s3, s0;
	s1 =	sshll.u32 s1, $0x11  }
0xeb: {  	s0 =	sor.u32 s1, s0  }
0xec: {  	s0 =	sadd.s32 $0x8F2B, s0  }
0xed: {  	[sflag:s0] =	ssyncadd.remote.s32 $0x1  }
0xee: {  	_ =	sfence.sel $0xFFFF  }
0xef: {  	[dreg:$0x0] =	wrdreg $0xFFFFFFFF;
	(pc) =	sbr.abs _section_cstart, $3  }
0xf0: {  	[dreg:$0x1] =	wrdreg $0xFFFFFFFF  }
0xf1: {  	_ =	task.clear_ibuf [dreg:s15], $0x2FFFF;
	_ =	strace $0x9FFFFFFF  }
0xf2: {  	(tm) =	ssettm $0x7FFFFFFF  }
0xf3: {  	_ =	shalt  }
tec
_tile_task_arg_handler_lowered:
.L_overlay_start_1:
0x0: {  	(tag) =	ssettag $0x1  }
0x1: {  	s0 =	rddreg [dreg:$0x0]  }
0x2: {  	s1 =	rddreg [dreg:$0x1]  }
0x3: {  	s2 =	rddreg [dreg:$0x2]  }
0x4: {  	s3 =	rddreg [dreg:$0x3]  }
0x5: {  	s4 =	rddreg [dreg:$0x4]  }
0x6: {  	s5 =	rddreg [dreg:$0x5]  }
0x7: {  	s6 =	rddreg [dreg:$0x6]  }
0x8: {  	s7 =	rddreg [dreg:$0x7]  }
0x9: {  	s8 =	rddreg [dreg:$0x8]  }
0xa: {  	s9 =	rddreg [dreg:$0x9]  }
0xb: {  	s10 =	rddreg [dreg:$0xa]  }
0xc: {  	s11 =	rddreg [dreg:$0xb]  }
0xd: {  	s12 =	rddreg [dreg:$0xc]  }
0xe: {  	s13 =	rddreg [dreg:$0xd]  }
0xf: {  	[smem:s0] =	sst s1  }
0x10: {  	[smem:s0+$0x1] =	sst s2  }
0x11: {  	[smem:s0+$0x2] =	sst s3  }
0x12: {  	[smem:s0+$0x3] =	sst s4  }
0x13: {  	[smem:s0+$0x4] =	sst s5  }
0x14: {  	[smem:s0+$0x5] =	sst s6  }
0x15: {  	[smem:s0+$0x6] =	sst s7  }
0x16: {  	[smem:s0+$0x7] =	sst s8  }
0x17: {  	[smem:s0+$0x8] =	sst s9  }
0x18: {  	[smem:s0+$0x9] =	sst s10  }
0x19: {  	[smem:s0+$0xA] =	sst s11  }
0x1a: {  	[smem:s0+$0xB] =	sst s12  }
0x1b: {  	[smem:s0+$0xC] =	sst s13;
	_ =	shalt  }
.Lfunc_end2:
execute0_lowered:
.L_overlay_start_2:
0x1c: {  	(tag) =	ssettag $0x2  }
0x1d: {  	s9 =	rddreg [dreg:$0x0]  }
0x1e: {  	s0 =	rddreg [dreg:$0x1]  }
0x1f: {  	s1 =	rddreg [dreg:$0x2]  }
0x20: {  	s2 =	rddreg [dreg:$0x3]  }
0x21: {  	s3 =	rddreg [dreg:$0x4]  }
0x22: {  	s4 =	rddreg [dreg:$0x5]  }
0x23: {  	s5 =	rddreg [dreg:$0x6]  }
0x24: {  	s10 =	rddreg [dreg:$0x7]  }
0x25: {  	s11 =	rddreg [dreg:$0x8]  }
0x26: {  	s12 =	rddreg [dreg:$0x9]  }
0x27: {  	s13 =	rddreg [dreg:$0xa]  }
0x28: {  	s14 =	rddreg [dreg:$0xb]  }
0x29: {  	s8 =	rddreg [dreg:$0xc]  }
0x2a: {  	s7 =	rddreg [dreg:$0xd];
	s6 =	simm.s32 $0x0  }
0x2b: {  	[smem:$0x7FF] =	sst s6  }
0x2c: {  	s17 =	srdreg.scid;
	s15 =	sld [smem:$0x0]  }
0x2d: {  	s19 =	stileid.u32;
	s16 =	sld [smem:$0x1]  }
0x2e: {  	s17 =	sand.u32 $0x1, s17;
	s19 =	sshll.u32 s19, $0x1;
	s18 =	sld [smem:$0x2]  }
0x2f: {  	s19 =	sor.u32 s17, s19;
	s24 =	sld [smem:$0x5]  }
0x30: {  	s20 =	sld [smem:$0x3];
	s22 =	sshll.u32 s19, $0x5  }
0x31: {  	s21 =	sld [smem:$0x4];
	s23 =	smul.u32 $0x3000, s19;
	s9 =	sadd.s32 s22, s9  }
0x32: {  	[smem:$0x7F6] =	sst s24;
	s9 =	sadd.s32 $0x800, s9  }
0x33: {  	s29 =	sadd.s32 s10, s23;
	_ =	strace $0x80000047;
	[dreg:$0xe] =	wrdreg s9  }
0x34: {  	s19 =	smul.u32 $0x18000, s19;
	s30 =	sadd.s32 s21, s23;
	[dreg:$0xf] =	wrdreg s29  }
0x35: {  	s22 =	sadd.s32 s20, s23;
	[dreg:$0x10] =	wrdreg s30  }
0x36: {  	s19 =	sshrl.u32 s19, $0x3;
	s26 =	sadd.s32 s12, s23;
	[dreg:$0x14] =	wrdreg s22  }
0x37: {  	s19 =	sadd.s32 $0x1800, s19;
	[dreg:$0x17] =	wrdreg s26;
	s29 =	sadd.s32 s18, s23  }
0x38: {  	s31 =	sadd.s32 s10, s19;
	[dreg:$0x18] =	wrdreg s29  }
0x39: {  	s10 =	sadd.s32 s21, s19;
	[dreg:$0x11] =	wrdreg s31  }
0x3a: {  	s28 =	simm.s32 $0xC100;
	s21 =	sadd.s32 s11, s23;
	[dreg:$0x12] =	wrdreg s10  }
0x3b: {  	s9 =	sadd.s32 $0x100, s0;
	s24 =	sadd.s32 s11, s19;
	[dreg:$0x13] =	wrdreg s21  }
0x3c: {  	s25 =	sadd.s32 s20, s19;
	s30 =	sadd.s32 s12, s19;
	[dreg:$0x15] =	wrdreg s24  }
0x3d: {  	s11 =	sadd.s32 s18, s19;
	s18 =	sadd.s32 s16, s23;
	[dreg:$0x16] =	wrdreg s25  }
0x3e: {  	s20 =	sadd.s32 s13, s19;
	s22 =	sadd.s32 s16, s19;
	[dreg:$0x19] =	wrdreg s30  }
0x3f: {  	s26 =	sadd.s32 s14, s19;
	s29 =	sadd.s32 s15, s19;
	[dreg:$0x1a] =	wrdreg s11  }
0x40: {  	s16 =	sadd.s32 $0x200, s3;
	s31 =	ssub.s32 $0x2, s17;
	[dreg:$0x1c] =	wrdreg s18  }
0x41: {  	s17 =	sadd.s32 s13, s23;
	s10 =	sadd.s32 $0x200, s0;
	[dreg:$0x1d] =	wrdreg s20  }
0x42: {  	s11 =	sadd.s32 $0x100, s1;
	[dreg:$0x1e] =	wrdreg s22;
	s24 =	sadd.s32 s14, s23  }
0x43: {  	s25 =	sadd.s32 s15, s23;
	s13 =	sadd.s32 $0x100, s2;
	[smem:$0x7F8] =	sst s26  }
0x44: {  	s14 =	sadd.s32 $0x200, s2;
	s15 =	sadd.s32 $0x100, s3;
	[smem:$0x7F9] =	sst s29  }
0x45: {  	s30 =	sadd.s32 s8, s23;
	s8 =	sadd.s32 s8, s19;
	[dreg:$0x1b] =	wrdreg s17  }
0x46: {  	s18 =	sadd.s32 $0x200, s4;
	s20 =	sadd.s32 $0x200, s5;
	[dreg:$0x1f] =	wrdreg s24  }
0x47: {  	s22 =	simm.s32 $0x1;
	s26 =	simm.s32 $0x4;
	[smem:$0x7F7] =	sst s25  }
0x48: {  	s12 =	sshrl.u32 s31, $0x1;
	[smem:$0x7FA] =	sst s30;
	s17 =	sadd.s32 $0x100, s4  }
0x49: {  	[smem:$0x7FC] =	sst s8;
	s24 =	simm.s32 $0x3;
	s25 =	simm.s32 $0x2  }
0x4a: {  	v2 =	vlaneseq.u32;
	s21 =	ssub.s32 s31, s12;
	s12 =	sadd.s32 $0x200, s1;
	s31 =	sadd.s32 s7, s23  }
0x4b: {  	vm0 =	vmmov $0xffff;
	v1 =	vshrl.u32 v2, $0x3;
	s7 =	sadd.s32 s7, s19;
	s19 =	sadd.s32 $0x100, s5;
	[smem:$0x7FB] =	sst s31  }
0x4c: {  	v0 =	vand.u32 $0x7, v2;
	v2 =	vor.u32 $0x8, v2;
	v1 =	vmul.u32 $0x8, v1;
	s23 =	simm.s32 $0x100;
	[smem:$0x7FD] =	sst s7;
	s7 =	smax.u32 s21, $0x1  }
.LBB3_1:
0x4d: {  	[smem:$0x7F5] =	sst s7  }
0x4e: {  	s29 =	rddreg [dreg:$0xe];
	s2 =	simm.s32 $0x5  }
0x4f: {  	[tilespmem:s6], [sflag:$0x5] =	stream.linear.gather [hbm4b:s29+s6], $0x100, $0x38;
	[tilespmem:$0x18100] =	vst v63  }
0x50: {  	_ =	swait.ge [sflag:s2], $0x100  }
0x51: {  	[sflag:s2] =	ssyncset.done $0x0  }
0x52: {  	[sflag:s2] =	ssyncadd.s32 $0xFFFFFF00  }
0x53: {  	v3 =	vld [tilespmem:$0x0];
	_ =	sdelay $0x4  }
0x54: {  	v4 =	vshrl.u32 v3, $0x3  }
0x55: {  	v4 =	vmul.u32 $0x30, v4  }
0x56: {  	v3 =	vand.u32 $0x7, v3  }
0x57: {  	v3 =	vor.u32 v3, v4  }
0x58: {  	v4 =	vperm.xlane v3, v0;
	_ =	sdelay $0x1  }
0x59: {  	v4 =	vadd.s32 v1, v4;
	_ =	sdelay $0x3  }
0x5a: {  	s0 =	rddreg [dreg:$0x1];
	v3 =	vperm.xlane v3, v2  }
0x5b: {  	[tilespmem:s23], [sflag:$0x1] =	stream.indirect_vreg.gather [hbm4b:s0+s6], $0x80, v4, vm0, $0xb8;
	[tilespmem:$0x18100] =	vst v63  }
0x5c: {  	s3 =	simm.s32 $0x900;
	v3 =	vadd.s32 v1, v3  }
0x5d: {  	[tilespmem:s3], [sflag:$0x1] =	stream.indirect_vreg.gather [hbm4b:s9+s6], $0x80, v4, vm0, $0xb8;
	[tilespmem:$0x18100] =	vst v63  }
0x5e: {  	s4 =	simm.s32 $0x1100  }
0x5f: {  	[tilespmem:s4], [sflag:$0x1] =	stream.indirect_vreg.gather [hbm4b:s10+s6], $0x80, v4, vm0, $0xb8;
	[tilespmem:$0x18100] =	vst v63  }
0x60: {  	s5 =	simm.s32 $0x1900  }
0x61: {  	[tilespmem:s5], [sflag:$0x1] =	stream.indirect_vreg.gather [hbm4b:s0+s6], $0x80, v3, vm0, $0xb8;
	[tilespmem:$0x18100] =	vst v63  }
0x62: {  	s8 =	simm.s32 $0x2100  }
0x63: {  	[tilespmem:s8], [sflag:$0x1] =	stream.indirect_vreg.gather [hbm4b:s9+s6], $0x80, v3, vm0, $0xb8;
	[tilespmem:$0x18100] =	vst v63  }
0x64: {  	s21 =	simm.s32 $0x2900  }
0x65: {  	[tilespmem:s21], [sflag:$0x1] =	stream.indirect_vreg.gather [hbm4b:s10+s6], $0x80, v3, vm0, $0xb8;
	[tilespmem:$0x18100] =	vst v63  }
0x66: {  	v3 =	vld [tilespmem:$0x10];
	_ =	sdelay $0x4  }
0x67: {  	v17 =	vshrl.u32 v3, $0x3  }
0x68: {  	v4 =	vmul.u32 $0x30, v17  }
0x69: {  	v3 =	vand.u32 $0x7, v3  }
0x6a: {  	v3 =	vor.u32 v3, v4  }
0x6b: {  	v4 =	vperm.xlane v3, v0;
	_ =	sdelay $0x1  }
0x6c: {  	v4 =	vadd.s32 v1, v4;
	_ =	sdelay $0x3  }
0x6d: {  	s29 =	simm.s32 $0x3100;
	v3 =	vperm.xlane v3, v2  }
0x6e: {  	[tilespmem:s29], [sflag:$0x1] =	stream.indirect_vreg.gather [hbm4b:s0+s6], $0x80, v4, vm0, $0xb8;
	[tilespmem:$0x18100] =	vst v63  }
0x6f: {  	s30 =	simm.s32 $0x3900;
	v3 =	vadd.s32 v1, v3  }
0x70: {  	[tilespmem:s30], [sflag:$0x1] =	stream.indirect_vreg.gather [hbm4b:s9+s6], $0x80, v4, vm0, $0xb8;
	[tilespmem:$0x18100] =	vst v63  }
0x71: {  	s31 =	simm.s32 $0x4100  }
0x72: {  	[tilespmem:s31], [sflag:$0x1] =	stream.indirect_vreg.gather [hbm4b:s10+s6], $0x80, v4, vm0, $0xb8;
	[tilespmem:$0x18100] =	vst v63  }
0x73: {  	s2 =	simm.s32 $0x4900  }
0x74: {  	[tilespmem:s2], [sflag:$0x1] =	stream.indirect_vreg.gather [hbm4b:s0+s6], $0x80, v3, vm0, $0xb8;
	[tilespmem:$0x18100] =	vst v63  }
0x75: {  	s4 =	simm.s32 $0x5100  }
0x76: {  	[tilespmem:s4], [sflag:$0x1] =	stream.indirect_vreg.gather [hbm4b:s9+s6], $0x80, v3, vm0, $0xb8;
	[tilespmem:$0x18100] =	vst v63  }
0x77: {  	s5 =	simm.s32 $0x5900  }
0x78: {  	[tilespmem:s5], [sflag:$0x1] =	stream.indirect_vreg.gather [hbm4b:s10+s6], $0x80, v3, vm0, $0xb8;
	[tilespmem:$0x18100] =	vst v63  }
0x79: {  	v3 =	vld [tilespmem:$0x20];
	_ =	sdelay $0x4  }
0x7a: {  	v18 =	vshrl.u32 v3, $0x3  }
0x7b: {  	v4 =	vmul.u32 $0x30, v18  }
0x7c: {  	v3 =	vand.u32 $0x7, v3  }
0x7d: {  	v3 =	vor.u32 v3, v4  }
0x7e: {  	v4 =	vperm.xlane v3, v0;
	_ =	sdelay $0x1  }
0x7f: {  	v4 =	vadd.s32 v1, v4;
	_ =	sdelay $0x3  }
0x80: {  	s8 =	simm.s32 $0x6100;
	v3 =	vperm.xlane v3, v2  }
0x81: {  	[tilespmem:s8], [sflag:$0x1] =	stream.indirect_vreg.gather [hbm4b:s0+s6], $0x80, v4, vm0, $0xb8;
	[tilespmem:$0x18100] =	vst v63  }
0x82: {  	s21 =	simm.s32 $0x6900;
	v3 =	vadd.s32 v1, v3  }
0x83: {  	[tilespmem:s21], [sflag:$0x1] =	stream.indirect_vreg.gather [hbm4b:s9+s6], $0x80, v4, vm0, $0xb8;
	[tilespmem:$0x18100] =	vst v63  }
0x84: {  	s29 =	simm.s32 $0x7100  }
0x85: {  	[tilespmem:s29], [sflag:$0x1] =	stream.indirect_vreg.gather [hbm4b:s10+s6], $0x80, v4, vm0, $0xb8;
	[tilespmem:$0x18100] =	vst v63  }
0x86: {  	s30 =	simm.s32 $0x7900  }
0x87: {  	[tilespmem:s30], [sflag:$0x1] =	stream.indirect_vreg.gather [hbm4b:s0+s6], $0x80, v3, vm0, $0xb8;
	[tilespmem:$0x18100] =	vst v63  }
0x88: {  	s31 =	simm.s32 $0x8100  }
0x89: {  	[tilespmem:s31], [sflag:$0x1] =	stream.indirect_vreg.gather [hbm4b:s9+s6], $0x80, v3, vm0, $0xb8;
	[tilespmem:$0x18100] =	vst v63  }
0x8a: {  	s2 =	simm.s32 $0x8900  }
0x8b: {  	[tilespmem:s2], [sflag:$0x1] =	stream.indirect_vreg.gather [hbm4b:s10+s6], $0x80, v3, vm0, $0xb8;
	[tilespmem:$0x18100] =	vst v63  }
0x8c: {  	v3 =	vld [tilespmem:$0x30];
	_ =	sdelay $0x4  }
0x8d: {  	v19 =	vshrl.u32 v3, $0x3  }
0x8e: {  	v4 =	vmul.u32 $0x30, v19  }
0x8f: {  	v3 =	vand.u32 $0x7, v3  }
0x90: {  	v3 =	vor.u32 v3, v4  }
0x91: {  	v4 =	vperm.xlane v3, v0;
	_ =	sdelay $0x1  }
0x92: {  	v4 =	vadd.s32 v1, v4;
	_ =	sdelay $0x3  }
0x93: {  	s8 =	simm.s32 $0x9100;
	v3 =	vperm.xlane v3, v2  }
0x94: {  	[tilespmem:s8], [sflag:$0x1] =	stream.indirect_vreg.gather [hbm4b:s0+s6], $0x80, v4, vm0, $0xb8;
	[tilespmem:$0x18100] =	vst v63  }
0x95: {  	s21 =	simm.s32 $0x9900;
	v3 =	vadd.s32 v1, v3  }
0x96: {  	[tilespmem:s21], [sflag:$0x1] =	stream.indirect_vreg.gather [hbm4b:s9+s6], $0x80, v4, vm0, $0xb8;
	[tilespmem:$0x18100] =	vst v63  }
0x97: {  	s29 =	simm.s32 $0xA100  }
0x98: {  	[tilespmem:s29], [sflag:$0x1] =	stream.indirect_vreg.gather [hbm4b:s10+s6], $0x80, v4, vm0, $0xb8;
	[tilespmem:$0x18100] =	vst v63  }
0x99: {  	s30 =	simm.s32 $0xA900  }
0x9a: {  	[tilespmem:s30], [sflag:$0x1] =	stream.indirect_vreg.gather [hbm4b:s0+s6], $0x80, v3, vm0, $0xb8;
	[tilespmem:$0x18100] =	vst v63  }
0x9b: {  	s31 =	simm.s32 $0xB100  }
0x9c: {  	[tilespmem:s31], [sflag:$0x1] =	stream.indirect_vreg.gather [hbm4b:s9+s6], $0x80, v3, vm0, $0xb8;
	[tilespmem:$0x18100] =	vst v63  }
0x9d: {  	s2 =	simm.s32 $0xB900  }
0x9e: {  	[tilespmem:s2], [sflag:$0x1] =	stream.indirect_vreg.gather [hbm4b:s10+s6], $0x80, v3, vm0, $0xb8;
	[tilespmem:$0x18100] =	vst v63  }
0x9f: {  	v3 =	vld [tilespmem:$0x80];
	_ =	sdelay $0x4  }
0xa0: {  	v20 =	vshrl.u32 v3, $0x3  }
0xa1: {  	v4 =	vmul.u32 $0x30, v20  }
0xa2: {  	v3 =	vand.u32 $0x7, v3  }
0xa3: {  	v3 =	vor.u32 v3, v4  }
0xa4: {  	v4 =	vperm.xlane v3, v0;
	_ =	sdelay $0x1  }
0xa5: {  	v4 =	vadd.s32 v1, v4;
	_ =	sdelay $0x3  }
0xa6: {  	v3 =	vperm.xlane v3, v2  }
0xa7: {  	[tilespmem:s28], [sflag:$0x2] =	stream.indirect_vreg.gather [hbm4b:s0+s6], $0x80, v4, vm0, $0xb8;
	[tilespmem:$0x18100] =	vst v63  }
0xa8: {  	s8 =	simm.s32 $0xC900;
	v3 =	vadd.s32 v1, v3  }
0xa9: {  	[tilespmem:s8], [sflag:$0x2] =	stream.indirect_vreg.gather [hbm4b:s9+s6], $0x80, v4, vm0, $0xb8;
	[tilespmem:$0x18100] =	vst v63  }
0xaa: {  	s21 =	simm.s32 $0xD100  }
0xab: {  	[tilespmem:s21], [sflag:$0x2] =	stream.indirect_vreg.gather [hbm4b:s10+s6], $0x80, v4, vm0, $0xb8;
	[tilespmem:$0x18100] =	vst v63  }
0xac: {  	s30 =	simm.s32 $0xD900  }
0xad: {  	[tilespmem:s30], [sflag:$0x2] =	stream.indirect_vreg.gather [hbm4b:s0+s6], $0x80, v3, vm0, $0xb8;
	[tilespmem:$0x18100] =	vst v63  }
0xae: {  	s31 =	simm.s32 $0xE100  }
0xaf: {  	[tilespmem:s31], [sflag:$0x2] =	stream.indirect_vreg.gather [hbm4b:s9+s6], $0x80, v3, vm0, $0xb8;
	[tilespmem:$0x18100] =	vst v63  }
0xb0: {  	s2 =	simm.s32 $0xE900  }
0xb1: {  	[tilespmem:s2], [sflag:$0x2] =	stream.indirect_vreg.gather [hbm4b:s10+s6], $0x80, v3, vm0, $0xb8;
	[tilespmem:$0x18100] =	vst v63  }
0xb2: {  	v3 =	vld [tilespmem:$0x90];
	_ =	sdelay $0x4  }
0xb3: {  	v21 =	vshrl.u32 v3, $0x3  }
0xb4: {  	v4 =	vmul.u32 $0x30, v21  }
0xb5: {  	v3 =	vand.u32 $0x7, v3  }
0xb6: {  	v3 =	vor.u32 v3, v4  }
0xb7: {  	v4 =	vperm.xlane v3, v0;
	_ =	sdelay $0x1  }
0xb8: {  	v4 =	vadd.s32 v1, v4;
	_ =	sdelay $0x3  }
0xb9: {  	s7 =	simm.s32 $0xF100;
	v3 =	vperm.xlane v3, v2  }
0xba: {  	[tilespmem:s7], [sflag:$0x2] =	stream.indirect_vreg.gather [hbm4b:s0+s6], $0x80, v4, vm0, $0xb8;
	[tilespmem:$0x18100] =	vst v63  }
0xbb: {  	s8 =	simm.s32 $0xF900;
	v3 =	vadd.s32 v1, v3  }
0xbc: {  	[tilespmem:s8], [sflag:$0x2] =	stream.indirect_vreg.gather [hbm4b:s9+s6], $0x80, v4, vm0, $0xb8;
	[tilespmem:$0x18100] =	vst v63  }
0xbd: {  	s21 =	simm.s32 $0x10100  }
0xbe: {  	[tilespmem:s21], [sflag:$0x2] =	stream.indirect_vreg.gather [hbm4b:s10+s6], $0x80, v4, vm0, $0xb8;
	[tilespmem:$0x18100] =	vst v63  }
0xbf: {  	s30 =	simm.s32 $0x10900  }
0xc0: {  	[tilespmem:s30], [sflag:$0x2] =	stream.indirect_vreg.gather [hbm4b:s0+s6], $0x80, v3, vm0, $0xb8;
	[tilespmem:$0x18100] =	vst v63  }
0xc1: {  	s31 =	simm.s32 $0x11100  }
0xc2: {  	[tilespmem:s31], [sflag:$0x2] =	stream.indirect_vreg.gather [hbm4b:s9+s6], $0x80, v3, vm0, $0xb8;
	[tilespmem:$0x18100] =	vst v63  }
0xc3: {  	s2 =	simm.s32 $0x11900  }
0xc4: {  	[tilespmem:s2], [sflag:$0x2] =	stream.indirect_vreg.gather [hbm4b:s10+s6], $0x80, v3, vm0, $0xb8;
	[tilespmem:$0x18100] =	vst v63  }
0xc5: {  	v3 =	vld [tilespmem:$0xA0];
	_ =	sdelay $0x4  }
0xc6: {  	v22 =	vshrl.u32 v3, $0x3  }
0xc7: {  	v4 =	vmul.u32 $0x30, v22  }
0xc8: {  	v3 =	vand.u32 $0x7, v3  }
0xc9: {  	v3 =	vor.u32 v3, v4  }
0xca: {  	v4 =	vperm.xlane v3, v0;
	_ =	sdelay $0x1  }
0xcb: {  	v4 =	vadd.s32 v1, v4;
	_ =	sdelay $0x3  }
0xcc: {  	s7 =	simm.s32 $0x12100;
	v3 =	vperm.xlane v3, v2  }
0xcd: {  	[tilespmem:s7], [sflag:$0x2] =	stream.indirect_vreg.gather [hbm4b:s0+s6], $0x80, v4, vm0, $0xb8;
	[tilespmem:$0x18100] =	vst v63  }
0xce: {  	s8 =	simm.s32 $0x12900;
	v3 =	vadd.s32 v1, v3  }
0xcf: {  	[tilespmem:s8], [sflag:$0x2] =	stream.indirect_vreg.gather [hbm4b:s9+s6], $0x80, v4, vm0, $0xb8;
	[tilespmem:$0x18100] =	vst v63  }
0xd0: {  	s21 =	simm.s32 $0x13100  }
0xd1: {  	[tilespmem:s21], [sflag:$0x2] =	stream.indirect_vreg.gather [hbm4b:s10+s6], $0x80, v4, vm0, $0xb8;
	[tilespmem:$0x18100] =	vst v63  }
0xd2: {  	s30 =	simm.s32 $0x13900  }
0xd3: {  	[tilespmem:s30], [sflag:$0x2] =	stream.indirect_vreg.gather [hbm4b:s0+s6], $0x80, v3, vm0, $0xb8;
	[tilespmem:$0x18100] =	vst v63  }
0xd4: {  	s31 =	simm.s32 $0x14100  }
0xd5: {  	[tilespmem:s31], [sflag:$0x2] =	stream.indirect_vreg.gather [hbm4b:s9+s6], $0x80, v3, vm0, $0xb8;
	[tilespmem:$0x18100] =	vst v63  }
0xd6: {  	s2 =	simm.s32 $0x14900  }
0xd7: {  	[tilespmem:s2], [sflag:$0x2] =	stream.indirect_vreg.gather [hbm4b:s10+s6], $0x80, v3, vm0, $0xb8;
	[tilespmem:$0x18100] =	vst v63  }
0xd8: {  	v3 =	vld [tilespmem:$0xB0];
	_ =	sdelay $0x4  }
0xd9: {  	v23 =	vshrl.u32 v3, $0x3  }
0xda: {  	v4 =	vmul.u32 $0x30, v23  }
0xdb: {  	v3 =	vand.u32 $0x7, v3  }
0xdc: {  	v3 =	vor.u32 v3, v4  }
0xdd: {  	v4 =	vperm.xlane v3, v0;
	_ =	sdelay $0x1  }
0xde: {  	v4 =	vadd.s32 v1, v4;
	_ =	sdelay $0x3  }
0xdf: {  	s7 =	simm.s32 $0x15100;
	v3 =	vperm.xlane v3, v2  }
0xe0: {  	[tilespmem:s7], [sflag:$0x2] =	stream.indirect_vreg.gather [hbm4b:s0+s6], $0x80, v4, vm0, $0xb8;
	[tilespmem:$0x18100] =	vst v63  }
0xe1: {  	s8 =	simm.s32 $0x15900;
	v3 =	vadd.s32 v1, v3  }
0xe2: {  	[tilespmem:s8], [sflag:$0x2] =	stream.indirect_vreg.gather [hbm4b:s9+s6], $0x80, v4, vm0, $0xb8;
	[tilespmem:$0x18100] =	vst v63  }
0xe3: {  	s21 =	simm.s32 $0x16100  }
0xe4: {  	[tilespmem:s21], [sflag:$0x2] =	stream.indirect_vreg.gather [hbm4b:s10+s6], $0x80, v4, vm0, $0xb8;
	[tilespmem:$0x18100] =	vst v63  }
0xe5: {  	s30 =	simm.s32 $0x16900  }
0xe6: {  	[tilespmem:s30], [sflag:$0x2] =	stream.indirect_vreg.gather [hbm4b:s0+s6], $0x80, v3, vm0, $0xb8;
	[tilespmem:$0x18100] =	vst v63  }
0xe7: {  	s31 =	simm.s32 $0x17100  }
0xe8: {  	[tilespmem:s31], [sflag:$0x2] =	stream.indirect_vreg.gather [hbm4b:s9+s6], $0x80, v3, vm0, $0xb8;
	[tilespmem:$0x18100] =	vst v63  }
0xe9: {  	s0 =	simm.s32 $0x17900  }
0xea: {  	[tilespmem:s0], [sflag:$0x2] =	stream.indirect_vreg.gather [hbm4b:s10+s6], $0x80, v3, vm0, $0xb8;
	[tilespmem:$0x18100] =	vst v63  }
0xeb: {  	_ =	swait.ge [sflag:s22], $0xC000  }
0xec: {  	[sflag:s22] =	ssyncset.done $0x0  }
0xed: {  	s2 =	rddreg [dreg:$0xf];
	[sflag:s22] =	ssyncadd.s32 $0xFFFF4000  }
0xee: {  	[hbm4b:s2+s6] =	stream.linear.scatter [tilespmem:s23], [sflag:$0x3], $0xC000, $0x38;
	[tilespmem:$0x18100] =	vst v63  }
0xef: {  	s30 =	rddreg [dreg:$0x10]  }
0xf0: {  	[hbm4b:s30+s6] =	stream.linear.scatter [tilespmem:s23], [sflag:$0x3], $0xC000, $0x38;
	[tilespmem:$0x18100] =	vst v63  }
0xf1: {  	_ =	swait.ge [sflag:s24], $0xC000  }
0xf2: {  	[sflag:s24] =	ssyncset.done $0x0  }
0xf3: {  	[sflag:s24] =	ssyncadd.s32 $0xFFFF4000  }
0xf4: {  	_ =	swait.ge [sflag:s24], $0xC000  }
0xf5: {  	[sflag:s24] =	ssyncset.done $0x0  }
0xf6: {  	[sflag:s24] =	ssyncadd.s32 $0xFFFF4000  }
0xf7: {  	v3 =	vld [tilespmem:$0x0];
	_ =	sdelay $0x4  }
0xf8: {  	v24 =	vshrl.u32 v3, $0x3  }
0xf9: {  	v4 =	vmul.u32 $0x30, v24  }
0xfa: {  	v3 =	vand.u32 $0x7, v3  }
0xfb: {  	v3 =	vor.u32 v3, v4  }
0xfc: {  	v4 =	vperm.xlane v3, v0;
	_ =	sdelay $0x1  }
0xfd: {  	v4 =	vadd.s32 v1, v4;
	_ =	sdelay $0x3  }
0xfe: {  	s2 =	rddreg [dreg:$0x2];
	v3 =	vperm.xlane v3, v2  }
0xff: {  	[tilespmem:s23], [sflag:$0x1] =	stream.indirect_vreg.gather [hbm4b:s2+s6], $0x80, v4, vm0, $0xb8;
	[tilespmem:$0x18100] =	vst v63  }
0x100: {  	s21 =	simm.s32 $0x900;
	v3 =	vadd.s32 v1, v3  }
0x101: {  	[tilespmem:s21], [sflag:$0x1] =	stream.indirect_vreg.gather [hbm4b:s11+s6], $0x80, v4, vm0, $0xb8;
	[tilespmem:$0x18100] =	vst v63  }
0x102: {  	s8 =	simm.s32 $0x1100  }
0x103: {  	[tilespmem:s8], [sflag:$0x1] =	stream.indirect_vreg.gather [hbm4b:s12+s6], $0x80, v4, vm0, $0xb8;
	[tilespmem:$0x18100] =	vst v63  }
0x104: {  	s31 =	simm.s32 $0x1900  }
0x105: {  	[tilespmem:s31], [sflag:$0x1] =	stream.indirect_vreg.gather [hbm4b:s2+s6], $0x80, v3, vm0, $0xb8;
	[tilespmem:$0x18100] =	vst v63  }
0x106: {  	s0 =	simm.s32 $0x2100  }
0x107: {  	[tilespmem:s0], [sflag:$0x1] =	stream.indirect_vreg.gather [hbm4b:s11+s6], $0x80, v3, vm0, $0xb8;
	[tilespmem:$0x18100] =	vst v63  }
0x108: {  	s1 =	simm.s32 $0x2900  }
0x109: {  	[tilespmem:s1], [sflag:$0x1] =	stream.indirect_vreg.gather [hbm4b:s12+s6], $0x80, v3, vm0, $0xb8;
	[tilespmem:$0x18100] =	vst v63  }
0x10a: {  	v3 =	vld [tilespmem:$0x10];
	_ =	sdelay $0x4  }
0x10b: {  	v25 =	vshrl.u32 v3, $0x3  }
0x10c: {  	v4 =	vmul.u32 $0x30, v25  }
0x10d: {  	v3 =	vand.u32 $0x7, v3  }
0x10e: {  	v3 =	vor.u32 v3, v4  }
0x10f: {  	v4 =	vperm.xlane v3, v0;
	_ =	sdelay $0x1  }
0x110: {  	v4 =	vadd.s32 v1, v4;
	_ =	sdelay $0x3  }
0x111: {  	s3 =	simm.s32 $0x3100;
	v3 =	vperm.xlane v3, v2  }
0x112: {  	[tilespmem:s3], [sflag:$0x1] =	stream.indirect_vreg.gather [hbm4b:s2+s6], $0x80, v4, vm0, $0xb8;
	[tilespmem:$0x18100] =	vst v63  }
0x113: {  	s1 =	simm.s32 $0x3900;
	v3 =	vadd.s32 v1, v3  }
0x114: {  	[tilespmem:s1], [sflag:$0x1] =	stream.indirect_vreg.gather [hbm4b:s11+s6], $0x80, v4, vm0, $0xb8;
	[tilespmem:$0x18100] =	vst v63  }
0x115: {  	s7 =	simm.s32 $0x4100  }
0x116: {  	[tilespmem:s7], [sflag:$0x1] =	stream.indirect_vreg.gather [hbm4b:s12+s6], $0x80, v4, vm0, $0xb8;
	[tilespmem:$0x18100] =	vst v63  }
0x117: {  	s29 =	simm.s32 $0x4900  }
0x118: {  	[tilespmem:s29], [sflag:$0x1] =	stream.indirect_vreg.gather [hbm4b:s2+s6], $0x80, v3, vm0, $0xb8;
	[tilespmem:$0x18100] =	vst v63  }
0x119: {  	s3 =	simm.s32 $0x5100  }
0x11a: {  	[tilespmem:s3], [sflag:$0x1] =	stream.indirect_vreg.gather [hbm4b:s11+s6], $0x80, v3, vm0, $0xb8;
	[tilespmem:$0x18100] =	vst v63  }
0x11b: {  	s4 =	simm.s32 $0x5900  }
0x11c: {  	[tilespmem:s4], [sflag:$0x1] =	stream.indirect_vreg.gather [hbm4b:s12+s6], $0x80, v3, vm0, $0xb8;
	[tilespmem:$0x18100] =	vst v63  }
0x11d: {  	v3 =	vld [tilespmem:$0x20];
	_ =	sdelay $0x4  }
0x11e: {  	v26 =	vshrl.u32 v3, $0x3  }
0x11f: {  	v4 =	vmul.u32 $0x30, v26  }
0x120: {  	v3 =	vand.u32 $0x7, v3  }
0x121: {  	v3 =	vor.u32 v3, v4  }
0x122: {  	v4 =	vperm.xlane v3, v0;
	_ =	sdelay $0x1  }
0x123: {  	v4 =	vadd.s32 v1, v4;
	_ =	sdelay $0x3  }
0x124: {  	s5 =	simm.s32 $0x6100;
	v3 =	vperm.xlane v3, v2  }
0x125: {  	[tilespmem:s5], [sflag:$0x1] =	stream.indirect_vreg.gather [hbm4b:s2+s6], $0x80, v4, vm0, $0xb8;
	[tilespmem:$0x18100] =	vst v63  }
0x126: {  	s4 =	simm.s32 $0x6900;
	v3 =	vadd.s32 v1, v3  }
0x127: {  	[tilespmem:s4], [sflag:$0x1] =	stream.indirect_vreg.gather [hbm4b:s11+s6], $0x80, v4, vm0, $0xb8;
	[tilespmem:$0x18100] =	vst v63  }
0x128: {  	s5 =	simm.s32 $0x7100  }
0x129: {  	[tilespmem:s5], [sflag:$0x1] =	stream.indirect_vreg.gather [hbm4b:s12+s6], $0x80, v4, vm0, $0xb8;
	[tilespmem:$0x18100] =	vst v63  }
0x12a: {  	s7 =	simm.s32 $0x7900  }
0x12b: {  	[tilespmem:s7], [sflag:$0x1] =	stream.indirect_vreg.gather [hbm4b:s2+s6], $0x80, v3, vm0, $0xb8;
	[tilespmem:$0x18100] =	vst v63  }
0x12c: {  	s30 =	simm.s32 $0x8100  }
0x12d: {  	[tilespmem:s30], [sflag:$0x1] =	stream.indirect_vreg.gather [hbm4b:s11+s6], $0x80, v3, vm0, $0xb8;
	[tilespmem:$0x18100] =	vst v63  }
0x12e: {  	s30 =	simm.s32 $0x8900  }
0x12f: {  	[tilespmem:s30], [sflag:$0x1] =	stream.indirect_vreg.gather [hbm4b:s12+s6], $0x80, v3, vm0, $0xb8;
	[tilespmem:$0x18100] =	vst v63  }
0x130: {  	v3 =	vld [tilespmem:$0x30];
	_ =	sdelay $0x4  }
0x131: {  	v27 =	vshrl.u32 v3, $0x3  }
0x132: {  	v4 =	vmul.u32 $0x30, v27  }
0x133: {  	v3 =	vand.u32 $0x7, v3  }
0x134: {  	v3 =	vor.u32 v3, v4  }
0x135: {  	v4 =	vperm.xlane v3, v0;
	_ =	sdelay $0x1  }
0x136: {  	v4 =	vadd.s32 v1, v4;
	_ =	sdelay $0x3  }
0x137: {  	s30 =	simm.s32 $0x9100;
	v3 =	vperm.xlane v3, v2  }
0x138: {  	[tilespmem:s30], [sflag:$0x1] =	stream.indirect_vreg.gather [hbm4b:s2+s6], $0x80, v4, vm0, $0xb8;
	[tilespmem:$0x18100] =	vst v63  }
0x139: {  	v3 =	vadd.s32 v1, v3;
	s30 =	simm.s32 $0x9900  }
0x13a: {  	[tilespmem:s30], [sflag:$0x1] =	stream.indirect_vreg.gather [hbm4b:s11+s6], $0x80, v4, vm0, $0xb8;
	[tilespmem:$0x18100] =	vst v63  }
0x13b: {  	s30 =	simm.s32 $0xA100  }
0x13c: {  	[tilespmem:s30], [sflag:$0x1] =	stream.indirect_vreg.gather [hbm4b:s12+s6], $0x80, v4, vm0, $0xb8;
	[tilespmem:$0x18100] =	vst v63  }
0x13d: {  	s30 =	simm.s32 $0xA900  }
0x13e: {  	[tilespmem:s30], [sflag:$0x1] =	stream.indirect_vreg.gather [hbm4b:s2+s6], $0x80, v3, vm0, $0xb8;
	[tilespmem:$0x18100] =	vst v63  }
0x13f: {  	s30 =	simm.s32 $0xB100  }
0x140: {  	[tilespmem:s30], [sflag:$0x1] =	stream.indirect_vreg.gather [hbm4b:s11+s6], $0x80, v3, vm0, $0xb8;
	[tilespmem:$0x18100] =	vst v63  }
0x141: {  	s30 =	simm.s32 $0xB900  }
0x142: {  	[tilespmem:s30], [sflag:$0x1] =	stream.indirect_vreg.gather [hbm4b:s12+s6], $0x80, v3, vm0, $0xb8;
	[tilespmem:$0x18100] =	vst v63  }
0x143: {  	_ =	swait.ge [sflag:s25], $0xC000  }
0x144: {  	[sflag:s25] =	ssyncset.done $0x0  }
0x145: {  	s29 =	rddreg [dreg:$0x11];
	[sflag:s25] =	ssyncadd.s32 $0xFFFF4000  }
0x146: {  	[hbm4b:s29+s6] =	stream.linear.scatter [tilespmem:s28], [sflag:$0x4], $0xC000, $0x38;
	[tilespmem:$0x18100] =	vst v63  }
0x147: {  	s30 =	rddreg [dreg:$0x12]  }
0x148: {  	[hbm4b:s30+s6] =	stream.linear.scatter [tilespmem:s28], [sflag:$0x4], $0xC000, $0x38;
	[tilespmem:$0x18100] =	vst v63  }
0x149: {  	_ =	swait.ge [sflag:s26], $0xC000  }
0x14a: {  	[sflag:s26] =	ssyncset.done $0x0  }
0x14b: {  	[sflag:s26] =	ssyncadd.s32 $0xFFFF4000  }
0x14c: {  	_ =	swait.ge [sflag:s26], $0xC000  }
0x14d: {  	[sflag:s26] =	ssyncset.done $0x0  }
0x14e: {  	[sflag:s26] =	ssyncadd.s32 $0xFFFF4000  }
0x14f: {  	v3 =	vld [tilespmem:$0x80];
	_ =	sdelay $0x4  }
0x150: {  	v28 =	vshrl.u32 v3, $0x3  }
0x151: {  	v4 =	vmul.u32 $0x30, v28  }
0x152: {  	v3 =	vand.u32 $0x7, v3  }
0x153: {  	v3 =	vor.u32 v3, v4  }
0x154: {  	v4 =	vperm.xlane v3, v0;
	_ =	sdelay $0x1  }
0x155: {  	v4 =	vadd.s32 v1, v4;
	_ =	sdelay $0x3  }
0x156: {  	v3 =	vperm.xlane v3, v2  }
0x157: {  	[tilespmem:s28], [sflag:$0x2] =	stream.indirect_vreg.gather [hbm4b:s2+s6], $0x80, v4, vm0, $0xb8;
	[tilespmem:$0x18100] =	vst v63  }
0x158: {  	s30 =	simm.s32 $0xC900;
	v3 =	vadd.s32 v1, v3  }
0x159: {  	[tilespmem:s30], [sflag:$0x2] =	stream.indirect_vreg.gather [hbm4b:s11+s6], $0x80, v4, vm0, $0xb8;
	[tilespmem:$0x18100] =	vst v63  }
0x15a: {  	s30 =	simm.s32 $0xD100  }
0x15b: {  	[tilespmem:s30], [sflag:$0x2] =	stream.indirect_vreg.gather [hbm4b:s12+s6], $0x80, v4, vm0, $0xb8;
	[tilespmem:$0x18100] =	vst v63  }
0x15c: {  	s30 =	simm.s32 $0xD900  }
0x15d: {  	[tilespmem:s30], [sflag:$0x2] =	stream.indirect_vreg.gather [hbm4b:s2+s6], $0x80, v3, vm0, $0xb8;
	[tilespmem:$0x18100] =	vst v63  }
0x15e: {  	s30 =	simm.s32 $0xE100  }
0x15f: {  	[tilespmem:s30], [sflag:$0x2] =	stream.indirect_vreg.gather [hbm4b:s11+s6], $0x80, v3, vm0, $0xb8;
	[tilespmem:$0x18100] =	vst v63  }
0x160: {  	s30 =	simm.s32 $0xE900  }
0x161: {  	[tilespmem:s30], [sflag:$0x2] =	stream.indirect_vreg.gather [hbm4b:s12+s6], $0x80, v3, vm0, $0xb8;
	[tilespmem:$0x18100] =	vst v63  }
0x162: {  	v3 =	vld [tilespmem:$0x90];
	_ =	sdelay $0x4  }
0x163: {  	v29 =	vshrl.u32 v3, $0x3  }
0x164: {  	v4 =	vmul.u32 $0x30, v29  }
0x165: {  	v3 =	vand.u32 $0x7, v3  }
0x166: {  	v3 =	vor.u32 v3, v4  }
0x167: {  	v4 =	vperm.xlane v3, v0;
	_ =	sdelay $0x1  }
0x168: {  	v4 =	vadd.s32 v1, v4;
	_ =	sdelay $0x3  }
0x169: {  	s30 =	simm.s32 $0xF100;
	v3 =	vperm.xlane v3, v2  }
0x16a: {  	[tilespmem:s30], [sflag:$0x2] =	stream.indirect_vreg.gather [hbm4b:s2+s6], $0x80, v4, vm0, $0xb8;
	[tilespmem:$0x18100] =	vst v63  }
0x16b: {  	v3 =	vadd.s32 v1, v3;
	s30 =	simm.s32 $0xF900  }
0x16c: {  	[tilespmem:s30], [sflag:$0x2] =	stream.indirect_vreg.gather [hbm4b:s11+s6], $0x80, v4, vm0, $0xb8;
	[tilespmem:$0x18100] =	vst v63  }
0x16d: {  	s30 =	simm.s32 $0x10100  }
0x16e: {  	[tilespmem:s30], [sflag:$0x2] =	stream.indirect_vreg.gather [hbm4b:s12+s6], $0x80, v4, vm0, $0xb8;
	[tilespmem:$0x18100] =	vst v63  }
0x16f: {  	s30 =	simm.s32 $0x10900  }
0x170: {  	[tilespmem:s30], [sflag:$0x2] =	stream.indirect_vreg.gather [hbm4b:s2+s6], $0x80, v3, vm0, $0xb8;
	[tilespmem:$0x18100] =	vst v63  }
0x171: {  	s30 =	simm.s32 $0x11100  }
0x172: {  	[tilespmem:s30], [sflag:$0x2] =	stream.indirect_vreg.gather [hbm4b:s11+s6], $0x80, v3, vm0, $0xb8;
	[tilespmem:$0x18100] =	vst v63  }
0x173: {  	s30 =	simm.s32 $0x11900  }
0x174: {  	[tilespmem:s30], [sflag:$0x2] =	stream.indirect_vreg.gather [hbm4b:s12+s6], $0x80, v3, vm0, $0xb8;
	[tilespmem:$0x18100] =	vst v63  }
0x175: {  	v3 =	vld [tilespmem:$0xA0];
	_ =	sdelay $0x4  }
0x176: {  	v30 =	vshrl.u32 v3, $0x3  }
0x177: {  	v4 =	vmul.u32 $0x30, v30  }
0x178: {  	v3 =	vand.u32 $0x7, v3  }
0x179: {  	v3 =	vor.u32 v3, v4  }
0x17a: {  	v4 =	vperm.xlane v3, v0;
	_ =	sdelay $0x1  }
0x17b: {  	v4 =	vadd.s32 v1, v4;
	_ =	sdelay $0x3  }
0x17c: {  	s30 =	simm.s32 $0x12100;
	v3 =	vperm.xlane v3, v2  }
0x17d: {  	[tilespmem:s30], [sflag:$0x2] =	stream.indirect_vreg.gather [hbm4b:s2+s6], $0x80, v4, vm0, $0xb8;
	[tilespmem:$0x18100] =	vst v63  }
0x17e: {  	v3 =	vadd.s32 v1, v3;
	s30 =	simm.s32 $0x12900  }
0x17f: {  	[tilespmem:s30], [sflag:$0x2] =	stream.indirect_vreg.gather [hbm4b:s11+s6], $0x80, v4, vm0, $0xb8;
	[tilespmem:$0x18100] =	vst v63  }
0x180: {  	s30 =	simm.s32 $0x13100  }
0x181: {  	[tilespmem:s30], [sflag:$0x2] =	stream.indirect_vreg.gather [hbm4b:s12+s6], $0x80, v4, vm0, $0xb8;
	[tilespmem:$0x18100] =	vst v63  }
0x182: {  	s30 =	simm.s32 $0x13900  }
0x183: {  	[tilespmem:s30], [sflag:$0x2] =	stream.indirect_vreg.gather [hbm4b:s2+s6], $0x80, v3, vm0, $0xb8;
	[tilespmem:$0x18100] =	vst v63  }
0x184: {  	s30 =	simm.s32 $0x14100  }
0x185: {  	[tilespmem:s30], [sflag:$0x2] =	stream.indirect_vreg.gather [hbm4b:s11+s6], $0x80, v3, vm0, $0xb8;
	[tilespmem:$0x18100] =	vst v63  }
0x186: {  	s30 =	simm.s32 $0x14900  }
0x187: {  	[tilespmem:s30], [sflag:$0x2] =	stream.indirect_vreg.gather [hbm4b:s12+s6], $0x80, v3, vm0, $0xb8;
	[tilespmem:$0x18100] =	vst v63  }
0x188: {  	v3 =	vld [tilespmem:$0xB0];
	_ =	sdelay $0x4  }
0x189: {  	v31 =	vshrl.u32 v3, $0x3  }
0x18a: {  	v4 =	vmul.u32 $0x30, v31  }
0x18b: {  	v3 =	vand.u32 $0x7, v3  }
0x18c: {  	v3 =	vor.u32 v3, v4  }
0x18d: {  	v4 =	vperm.xlane v3, v0;
	_ =	sdelay $0x1  }
0x18e: {  	v4 =	vadd.s32 v1, v4;
	_ =	sdelay $0x3  }
0x18f: {  	s30 =	simm.s32 $0x15100;
	v3 =	vperm.xlane v3, v2  }
0x190: {  	[tilespmem:s30], [sflag:$0x2] =	stream.indirect_vreg.gather [hbm4b:s2+s6], $0x80, v4, vm0, $0xb8;
	[tilespmem:$0x18100] =	vst v63  }
0x191: {  	v3 =	vadd.s32 v1, v3;
	s30 =	simm.s32 $0x15900  }
0x192: {  	[tilespmem:s30], [sflag:$0x2] =	stream.indirect_vreg.gather [hbm4b:s11+s6], $0x80, v4, vm0, $0xb8;
	[tilespmem:$0x18100] =	vst v63  }
0x193: {  	s30 =	simm.s32 $0x16100  }
0x194: {  	[tilespmem:s30], [sflag:$0x2] =	stream.indirect_vreg.gather [hbm4b:s12+s6], $0x80, v4, vm0, $0xb8;
	[tilespmem:$0x18100] =	vst v63  }
0x195: {  	s30 =	simm.s32 $0x16900  }
0x196: {  	[tilespmem:s30], [sflag:$0x2] =	stream.indirect_vreg.gather [hbm4b:s2+s6], $0x80, v3, vm0, $0xb8;
	[tilespmem:$0x18100] =	vst v63  }
0x197: {  	s29 =	simm.s32 $0x17100  }
0x198: {  	[tilespmem:s29], [sflag:$0x2] =	stream.indirect_vreg.gather [hbm4b:s11+s6], $0x80, v3, vm0, $0xb8;
	[tilespmem:$0x18100] =	vst v63  }
0x199: {  	s30 =	simm.s32 $0x17900  }
0x19a: {  	[tilespmem:s30], [sflag:$0x2] =	stream.indirect_vreg.gather [hbm4b:s12+s6], $0x80, v3, vm0, $0xb8;
	[tilespmem:$0x18100] =	vst v63  }
0x19b: {  	_ =	swait.ge [sflag:s22], $0xC000  }
0x19c: {  	[sflag:s22] =	ssyncset.done $0x0  }
0x19d: {  	s29 =	rddreg [dreg:$0x13];
	[sflag:s22] =	ssyncadd.s32 $0xFFFF4000  }
0x19e: {  	[hbm4b:s29+s6] =	stream.linear.scatter [tilespmem:s23], [sflag:$0x3], $0xC000, $0x38;
	[tilespmem:$0x18100] =	vst v63  }
0x19f: {  	s2 =	rddreg [dreg:$0x14]  }
0x1a0: {  	[hbm4b:s2+s6] =	stream.linear.scatter [tilespmem:s23], [sflag:$0x3], $0xC000, $0x38;
	[tilespmem:$0x18100] =	vst v63  }
0x1a1: {  	_ =	swait.ge [sflag:s24], $0xC000  }
0x1a2: {  	[sflag:s24] =	ssyncset.done $0x0  }
0x1a3: {  	[sflag:s24] =	ssyncadd.s32 $0xFFFF4000  }
0x1a4: {  	_ =	swait.ge [sflag:s24], $0xC000  }
0x1a5: {  	[sflag:s24] =	ssyncset.done $0x0  }
0x1a6: {  	[sflag:s24] =	ssyncadd.s32 $0xFFFF4000  }
0x1a7: {  	v3 =	vld [tilespmem:$0x0];
	_ =	sdelay $0x4  }
0x1a8: {  	v32 =	vshrl.u32 v3, $0x3  }
0x1a9: {  	v4 =	vmul.u32 $0x30, v32  }
0x1aa: {  	v3 =	vand.u32 $0x7, v3  }
0x1ab: {  	v3 =	vor.u32 v3, v4  }
0x1ac: {  	v4 =	vperm.xlane v3, v0;
	_ =	sdelay $0x1  }
0x1ad: {  	v4 =	vadd.s32 v1, v4;
	_ =	sdelay $0x3  }
0x1ae: {  	s2 =	rddreg [dreg:$0x3];
	v3 =	vperm.xlane v3, v2  }
0x1af: {  	[tilespmem:s23], [sflag:$0x1] =	stream.indirect_vreg.gather [hbm4b:s2+s6], $0x80, v4, vm0, $0xb8;
	[tilespmem:$0x18100] =	vst v63  }
0x1b0: {  	v3 =	vadd.s32 v1, v3  }
0x1b1: {  	[tilespmem:s21], [sflag:$0x1] =	stream.indirect_vreg.gather [hbm4b:s13+s6], $0x80, v4, vm0, $0xb8;
	[tilespmem:$0x18100] =	vst v63  }
0x1b2: {  	_ = 	snop  }
0x1b3: {  	[tilespmem:s8], [sflag:$0x1] =	stream.indirect_vreg.gather [hbm4b:s14+s6], $0x80, v4, vm0, $0xb8;
	[tilespmem:$0x18100] =	vst v63  }
0x1b4: {  	_ = 	snop  }
0x1b5: {  	[tilespmem:s31], [sflag:$0x1] =	stream.indirect_vreg.gather [hbm4b:s2+s6], $0x80, v3, vm0, $0xb8;
	[tilespmem:$0x18100] =	vst v63  }
0x1b6: {  	_ = 	snop  }
0x1b7: {  	[tilespmem:s0], [sflag:$0x1] =	stream.indirect_vreg.gather [hbm4b:s13+s6], $0x80, v3, vm0, $0xb8;
	[tilespmem:$0x18100] =	vst v63  }
0x1b8: {  	s30 =	simm.s32 $0x2900  }
0x1b9: {  	[tilespmem:s30], [sflag:$0x1] =	stream.indirect_vreg.gather [hbm4b:s14+s6], $0x80, v3, vm0, $0xb8;
	[tilespmem:$0x18100] =	vst v63  }
0x1ba: {  	v3 =	vld [tilespmem:$0x10];
	_ =	sdelay $0x4  }
0x1bb: {  	v33 =	vshrl.u32 v3, $0x3  }
0x1bc: {  	v4 =	vmul.u32 $0x30, v33  }
0x1bd: {  	v3 =	vand.u32 $0x7, v3  }
0x1be: {  	v3 =	vor.u32 v3, v4  }
0x1bf: {  	v4 =	vperm.xlane v3, v0;
	_ =	sdelay $0x1  }
0x1c0: {  	v4 =	vadd.s32 v1, v4;
	_ =	sdelay $0x3  }
0x1c1: {  	s30 =	simm.s32 $0x3100;
	v3 =	vperm.xlane v3, v2  }
0x1c2: {  	[tilespmem:s30], [sflag:$0x1] =	stream.indirect_vreg.gather [hbm4b:s2+s6], $0x80, v4, vm0, $0xb8;
	[tilespmem:$0x18100] =	vst v63  }
0x1c3: {  	v3 =	vadd.s32 v1, v3  }
0x1c4: {  	[tilespmem:s1], [sflag:$0x1] =	stream.indirect_vreg.gather [hbm4b:s13+s6], $0x80, v4, vm0, $0xb8;
	[tilespmem:$0x18100] =	vst v63  }
0x1c5: {  	s30 =	simm.s32 $0x4100  }
0x1c6: {  	[tilespmem:s30], [sflag:$0x1] =	stream.indirect_vreg.gather [hbm4b:s14+s6], $0x80, v4, vm0, $0xb8;
	[tilespmem:$0x18100] =	vst v63  }
0x1c7: {  	s30 =	simm.s32 $0x4900  }
0x1c8: {  	[tilespmem:s30], [sflag:$0x1] =	stream.indirect_vreg.gather [hbm4b:s2+s6], $0x80, v3, vm0, $0xb8;
	[tilespmem:$0x18100] =	vst v63  }
0x1c9: {  	_ = 	snop  }
0x1ca: {  	[tilespmem:s3], [sflag:$0x1] =	stream.indirect_vreg.gather [hbm4b:s13+s6], $0x80, v3, vm0, $0xb8;
	[tilespmem:$0x18100] =	vst v63  }
0x1cb: {  	s29 =	simm.s32 $0x5900  }
0x1cc: {  	[tilespmem:s29], [sflag:$0x1] =	stream.indirect_vreg.gather [hbm4b:s14+s6], $0x80, v3, vm0, $0xb8;
	[tilespmem:$0x18100] =	vst v63  }
0x1cd: {  	v3 =	vld [tilespmem:$0x20];
	_ =	sdelay $0x4  }
0x1ce: {  	v34 =	vshrl.u32 v3, $0x3  }
0x1cf: {  	v4 =	vmul.u32 $0x30, v34  }
0x1d0: {  	v3 =	vand.u32 $0x7, v3  }
0x1d1: {  	v3 =	vor.u32 v3, v4  }
0x1d2: {  	v4 =	vperm.xlane v3, v0;
	_ =	sdelay $0x1  }
0x1d3: {  	v4 =	vadd.s32 v1, v4;
	_ =	sdelay $0x3  }
0x1d4: {  	s30 =	simm.s32 $0x6100;
	v3 =	vperm.xlane v3, v2  }
0x1d5: {  	[tilespmem:s30], [sflag:$0x1] =	stream.indirect_vreg.gather [hbm4b:s2+s6], $0x80, v4, vm0, $0xb8;
	[tilespmem:$0x18100] =	vst v63  }
0x1d6: {  	v3 =	vadd.s32 v1, v3  }
0x1d7: {  	[tilespmem:s4], [sflag:$0x1] =	stream.indirect_vreg.gather [hbm4b:s13+s6], $0x80, v4, vm0, $0xb8;
	[tilespmem:$0x18100] =	vst v63  }
0x1d8: {  	_ = 	snop  }
0x1d9: {  	[tilespmem:s5], [sflag:$0x1] =	stream.indirect_vreg.gather [hbm4b:s14+s6], $0x80, v4, vm0, $0xb8;
	[tilespmem:$0x18100] =	vst v63  }
0x1da: {  	_ = 	snop  }
0x1db: {  	[tilespmem:s7], [sflag:$0x1] =	stream.indirect_vreg.gather [hbm4b:s2+s6], $0x80, v3, vm0, $0xb8;
	[tilespmem:$0x18100] =	vst v63  }
0x1dc: {  	s29 =	simm.s32 $0x8100  }
0x1dd: {  	[tilespmem:s29], [sflag:$0x1] =	stream.indirect_vreg.gather [hbm4b:s13+s6], $0x80, v3, vm0, $0xb8;
	[tilespmem:$0x18100] =	vst v63  }
0x1de: {  	s30 =	simm.s32 $0x8900  }
0x1df: {  	[tilespmem:s30], [sflag:$0x1] =	stream.indirect_vreg.gather [hbm4b:s14+s6], $0x80, v3, vm0, $0xb8;
	[tilespmem:$0x18100] =	vst v63  }
0x1e0: {  	v3 =	vld [tilespmem:$0x30];
	_ =	sdelay $0x4  }
0x1e1: {  	v35 =	vshrl.u32 v3, $0x3  }
0x1e2: {  	v4 =	vmul.u32 $0x30, v35  }
0x1e3: {  	v3 =	vand.u32 $0x7, v3  }
0x1e4: {  	v3 =	vor.u32 v3, v4  }
0x1e5: {  	v4 =	vperm.xlane v3, v0;
	_ =	sdelay $0x1  }
0x1e6: {  	v4 =	vadd.s32 v1, v4;
	_ =	sdelay $0x3  }
0x1e7: {  	s29 =	simm.s32 $0x9100;
	v3 =	vperm.xlane v3, v2  }
0x1e8: {  	[tilespmem:s29], [sflag:$0x1] =	stream.indirect_vreg.gather [hbm4b:s2+s6], $0x80, v4, vm0, $0xb8;
	[tilespmem:$0x18100] =	vst v63  }
0x1e9: {  	s30 =	simm.s32 $0x9900;
	v3 =	vadd.s32 v1, v3  }
0x1ea: {  	[tilespmem:s30], [sflag:$0x1] =	stream.indirect_vreg.gather [hbm4b:s13+s6], $0x80, v4, vm0, $0xb8;
	[tilespmem:$0x18100] =	vst v63  }
0x1eb: {  	s29 =	simm.s32 $0xA100  }
0x1ec: {  	[tilespmem:s29], [sflag:$0x1] =	stream.indirect_vreg.gather [hbm4b:s14+s6], $0x80, v4, vm0, $0xb8;
	[tilespmem:$0x18100] =	vst v63  }
0x1ed: {  	s30 =	simm.s32 $0xA900  }
0x1ee: {  	[tilespmem:s30], [sflag:$0x1] =	stream.indirect_vreg.gather [hbm4b:s2+s6], $0x80, v3, vm0, $0xb8;
	[tilespmem:$0x18100] =	vst v63  }
0x1ef: {  	s29 =	simm.s32 $0xB100  }
0x1f0: {  	[tilespmem:s29], [sflag:$0x1] =	stream.indirect_vreg.gather [hbm4b:s13+s6], $0x80, v3, vm0, $0xb8;
	[tilespmem:$0x18100] =	vst v63  }
0x1f1: {  	s30 =	simm.s32 $0xB900  }
0x1f2: {  	[tilespmem:s30], [sflag:$0x1] =	stream.indirect_vreg.gather [hbm4b:s14+s6], $0x80, v3, vm0, $0xb8;
	[tilespmem:$0x18100] =	vst v63  }
0x1f3: {  	_ =	swait.ge [sflag:s25], $0xC000  }
0x1f4: {  	[sflag:s25] =	ssyncset.done $0x0  }
0x1f5: {  	s29 =	rddreg [dreg:$0x15];
	[sflag:s25] =	ssyncadd.s32 $0xFFFF4000  }
0x1f6: {  	[hbm4b:s29+s6] =	stream.linear.scatter [tilespmem:s28], [sflag:$0x4], $0xC000, $0x38;
	[tilespmem:$0x18100] =	vst v63  }
0x1f7: {  	s3 =	rddreg [dreg:$0x16]  }
0x1f8: {  	[hbm4b:s3+s6] =	stream.linear.scatter [tilespmem:s28], [sflag:$0x4], $0xC000, $0x38;
	[tilespmem:$0x18100] =	vst v63  }
0x1f9: {  	_ =	swait.ge [sflag:s26], $0xC000  }
0x1fa: {  	[sflag:s26] =	ssyncset.done $0x0  }
0x1fb: {  	[sflag:s26] =	ssyncadd.s32 $0xFFFF4000  }
0x1fc: {  	_ =	swait.ge [sflag:s26], $0xC000  }
0x1fd: {  	[sflag:s26] =	ssyncset.done $0x0  }
0x1fe: {  	[sflag:s26] =	ssyncadd.s32 $0xFFFF4000  }
0x1ff: {  	v3 =	vld [tilespmem:$0x80];
	_ =	sdelay $0x4  }
0x200: {  	v36 =	vshrl.u32 v3, $0x3  }
0x201: {  	v4 =	vmul.u32 $0x30, v36  }
0x202: {  	v3 =	vand.u32 $0x7, v3  }
0x203: {  	v3 =	vor.u32 v3, v4  }
0x204: {  	v4 =	vperm.xlane v3, v0;
	_ =	sdelay $0x1  }
0x205: {  	v4 =	vadd.s32 v1, v4;
	_ =	sdelay $0x3  }
0x206: {  	v3 =	vperm.xlane v3, v2  }
0x207: {  	[tilespmem:s28], [sflag:$0x2] =	stream.indirect_vreg.gather [hbm4b:s2+s6], $0x80, v4, vm0, $0xb8;
	[tilespmem:$0x18100] =	vst v63  }
0x208: {  	s30 =	simm.s32 $0xC900;
	v3 =	vadd.s32 v1, v3  }
0x209: {  	[tilespmem:s30], [sflag:$0x2] =	stream.indirect_vreg.gather [hbm4b:s13+s6], $0x80, v4, vm0, $0xb8;
	[tilespmem:$0x18100] =	vst v63  }
0x20a: {  	s29 =	simm.s32 $0xD100  }
0x20b: {  	[tilespmem:s29], [sflag:$0x2] =	stream.indirect_vreg.gather [hbm4b:s14+s6], $0x80, v4, vm0, $0xb8;
	[tilespmem:$0x18100] =	vst v63  }
0x20c: {  	s30 =	simm.s32 $0xD900  }
0x20d: {  	[tilespmem:s30], [sflag:$0x2] =	stream.indirect_vreg.gather [hbm4b:s2+s6], $0x80, v3, vm0, $0xb8;
	[tilespmem:$0x18100] =	vst v63  }
0x20e: {  	s29 =	simm.s32 $0xE100  }
0x20f: {  	[tilespmem:s29], [sflag:$0x2] =	stream.indirect_vreg.gather [hbm4b:s13+s6], $0x80, v3, vm0, $0xb8;
	[tilespmem:$0x18100] =	vst v63  }
0x210: {  	s30 =	simm.s32 $0xE900  }
0x211: {  	[tilespmem:s30], [sflag:$0x2] =	stream.indirect_vreg.gather [hbm4b:s14+s6], $0x80, v3, vm0, $0xb8;
	[tilespmem:$0x18100] =	vst v63  }
0x212: {  	v3 =	vld [tilespmem:$0x90];
	_ =	sdelay $0x4  }
0x213: {  	v37 =	vshrl.u32 v3, $0x3  }
0x214: {  	v4 =	vmul.u32 $0x30, v37  }
0x215: {  	v3 =	vand.u32 $0x7, v3  }
0x216: {  	v3 =	vor.u32 v3, v4  }
0x217: {  	v4 =	vperm.xlane v3, v0;
	_ =	sdelay $0x1  }
0x218: {  	v4 =	vadd.s32 v1, v4;
	_ =	sdelay $0x3  }
0x219: {  	s29 =	simm.s32 $0xF100;
	v3 =	vperm.xlane v3, v2  }
0x21a: {  	[tilespmem:s29], [sflag:$0x2] =	stream.indirect_vreg.gather [hbm4b:s2+s6], $0x80, v4, vm0, $0xb8;
	[tilespmem:$0x18100] =	vst v63  }
0x21b: {  	s30 =	simm.s32 $0xF900;
	v3 =	vadd.s32 v1, v3  }
0x21c: {  	[tilespmem:s30], [sflag:$0x2] =	stream.indirect_vreg.gather [hbm4b:s13+s6], $0x80, v4, vm0, $0xb8;
	[tilespmem:$0x18100] =	vst v63  }
0x21d: {  	s29 =	simm.s32 $0x10100  }
0x21e: {  	[tilespmem:s29], [sflag:$0x2] =	stream.indirect_vreg.gather [hbm4b:s14+s6], $0x80, v4, vm0, $0xb8;
	[tilespmem:$0x18100] =	vst v63  }
0x21f: {  	s30 =	simm.s32 $0x10900  }
0x220: {  	[tilespmem:s30], [sflag:$0x2] =	stream.indirect_vreg.gather [hbm4b:s2+s6], $0x80, v3, vm0, $0xb8;
	[tilespmem:$0x18100] =	vst v63  }
0x221: {  	s29 =	simm.s32 $0x11100  }
0x222: {  	[tilespmem:s29], [sflag:$0x2] =	stream.indirect_vreg.gather [hbm4b:s13+s6], $0x80, v3, vm0, $0xb8;
	[tilespmem:$0x18100] =	vst v63  }
0x223: {  	s30 =	simm.s32 $0x11900  }
0x224: {  	[tilespmem:s30], [sflag:$0x2] =	stream.indirect_vreg.gather [hbm4b:s14+s6], $0x80, v3, vm0, $0xb8;
	[tilespmem:$0x18100] =	vst v63  }
0x225: {  	v3 =	vld [tilespmem:$0xA0];
	_ =	sdelay $0x4  }
0x226: {  	v38 =	vshrl.u32 v3, $0x3  }
0x227: {  	v4 =	vmul.u32 $0x30, v38  }
0x228: {  	v3 =	vand.u32 $0x7, v3  }
0x229: {  	v3 =	vor.u32 v3, v4  }
0x22a: {  	v4 =	vperm.xlane v3, v0;
	_ =	sdelay $0x1  }
0x22b: {  	v4 =	vadd.s32 v1, v4;
	_ =	sdelay $0x3  }
0x22c: {  	s29 =	simm.s32 $0x12100;
	v3 =	vperm.xlane v3, v2  }
0x22d: {  	[tilespmem:s29], [sflag:$0x2] =	stream.indirect_vreg.gather [hbm4b:s2+s6], $0x80, v4, vm0, $0xb8;
	[tilespmem:$0x18100] =	vst v63  }
0x22e: {  	s30 =	simm.s32 $0x12900;
	v3 =	vadd.s32 v1, v3  }
0x22f: {  	[tilespmem:s30], [sflag:$0x2] =	stream.indirect_vreg.gather [hbm4b:s13+s6], $0x80, v4, vm0, $0xb8;
	[tilespmem:$0x18100] =	vst v63  }
0x230: {  	s29 =	simm.s32 $0x13100  }
0x231: {  	[tilespmem:s29], [sflag:$0x2] =	stream.indirect_vreg.gather [hbm4b:s14+s6], $0x80, v4, vm0, $0xb8;
	[tilespmem:$0x18100] =	vst v63  }
0x232: {  	s30 =	simm.s32 $0x13900  }
0x233: {  	[tilespmem:s30], [sflag:$0x2] =	stream.indirect_vreg.gather [hbm4b:s2+s6], $0x80, v3, vm0, $0xb8;
	[tilespmem:$0x18100] =	vst v63  }
0x234: {  	s29 =	simm.s32 $0x14100  }
0x235: {  	[tilespmem:s29], [sflag:$0x2] =	stream.indirect_vreg.gather [hbm4b:s13+s6], $0x80, v3, vm0, $0xb8;
	[tilespmem:$0x18100] =	vst v63  }
0x236: {  	s30 =	simm.s32 $0x14900  }
0x237: {  	[tilespmem:s30], [sflag:$0x2] =	stream.indirect_vreg.gather [hbm4b:s14+s6], $0x80, v3, vm0, $0xb8;
	[tilespmem:$0x18100] =	vst v63  }
0x238: {  	v3 =	vld [tilespmem:$0xB0];
	_ =	sdelay $0x4  }
0x239: {  	v39 =	vshrl.u32 v3, $0x3  }
0x23a: {  	v4 =	vmul.u32 $0x30, v39  }
0x23b: {  	v3 =	vand.u32 $0x7, v3  }
0x23c: {  	v3 =	vor.u32 v3, v4  }
0x23d: {  	v4 =	vperm.xlane v3, v0;
	_ =	sdelay $0x1  }
0x23e: {  	v4 =	vadd.s32 v1, v4;
	_ =	sdelay $0x3  }
0x23f: {  	s29 =	simm.s32 $0x15100;
	v3 =	vperm.xlane v3, v2  }
0x240: {  	[tilespmem:s29], [sflag:$0x2] =	stream.indirect_vreg.gather [hbm4b:s2+s6], $0x80, v4, vm0, $0xb8;
	[tilespmem:$0x18100] =	vst v63  }
0x241: {  	s30 =	simm.s32 $0x15900;
	v3 =	vadd.s32 v1, v3  }
0x242: {  	[tilespmem:s30], [sflag:$0x2] =	stream.indirect_vreg.gather [hbm4b:s13+s6], $0x80, v4, vm0, $0xb8;
	[tilespmem:$0x18100] =	vst v63  }
0x243: {  	s29 =	simm.s32 $0x16100  }
0x244: {  	[tilespmem:s29], [sflag:$0x2] =	stream.indirect_vreg.gather [hbm4b:s14+s6], $0x80, v4, vm0, $0xb8;
	[tilespmem:$0x18100] =	vst v63  }
0x245: {  	s30 =	simm.s32 $0x16900  }
0x246: {  	[tilespmem:s30], [sflag:$0x2] =	stream.indirect_vreg.gather [hbm4b:s2+s6], $0x80, v3, vm0, $0xb8;
	[tilespmem:$0x18100] =	vst v63  }
0x247: {  	s29 =	simm.s32 $0x17100  }
0x248: {  	[tilespmem:s29], [sflag:$0x2] =	stream.indirect_vreg.gather [hbm4b:s13+s6], $0x80, v3, vm0, $0xb8;
	[tilespmem:$0x18100] =	vst v63  }
0x249: {  	s30 =	simm.s32 $0x17900  }
0x24a: {  	[tilespmem:s30], [sflag:$0x2] =	stream.indirect_vreg.gather [hbm4b:s14+s6], $0x80, v3, vm0, $0xb8;
	[tilespmem:$0x18100] =	vst v63  }
0x24b: {  	_ =	swait.ge [sflag:s22], $0xC000  }
0x24c: {  	[sflag:s22] =	ssyncset.done $0x0  }
0x24d: {  	s2 =	rddreg [dreg:$0x17];
	[sflag:s22] =	ssyncadd.s32 $0xFFFF4000  }
0x24e: {  	[hbm4b:s2+s6] =	stream.linear.scatter [tilespmem:s23], [sflag:$0x3], $0xC000, $0x38;
	[tilespmem:$0x18100] =	vst v63  }
0x24f: {  	s3 =	rddreg [dreg:$0x18]  }
0x250: {  	[hbm4b:s3+s6] =	stream.linear.scatter [tilespmem:s23], [sflag:$0x3], $0xC000, $0x38;
	[tilespmem:$0x18100] =	vst v63  }
0x251: {  	_ =	swait.ge [sflag:s24], $0xC000  }
0x252: {  	[sflag:s24] =	ssyncset.done $0x0  }
0x253: {  	[sflag:s24] =	ssyncadd.s32 $0xFFFF4000  }
0x254: {  	_ =	swait.ge [sflag:s24], $0xC000  }
0x255: {  	[sflag:s24] =	ssyncset.done $0x0  }
0x256: {  	[sflag:s24] =	ssyncadd.s32 $0xFFFF4000  }
0x257: {  	v3 =	vld [tilespmem:$0x0];
	_ =	sdelay $0x4  }
0x258: {  	v40 =	vshrl.u32 v3, $0x3  }
0x259: {  	v4 =	vmul.u32 $0x30, v40  }
0x25a: {  	v3 =	vand.u32 $0x7, v3  }
0x25b: {  	v3 =	vor.u32 v3, v4  }
0x25c: {  	v4 =	vperm.xlane v3, v0;
	_ =	sdelay $0x1  }
0x25d: {  	v4 =	vadd.s32 v1, v4;
	_ =	sdelay $0x3  }
0x25e: {  	s3 =	rddreg [dreg:$0x4];
	v3 =	vperm.xlane v3, v2  }
0x25f: {  	[tilespmem:s23], [sflag:$0x1] =	stream.indirect_vreg.gather [hbm4b:s3+s6], $0x80, v4, vm0, $0xb8;
	[tilespmem:$0x18100] =	vst v63  }
0x260: {  	s21 =	simm.s32 $0x900;
	v3 =	vadd.s32 v1, v3  }
0x261: {  	[tilespmem:s21], [sflag:$0x1] =	stream.indirect_vreg.gather [hbm4b:s15+s6], $0x80, v4, vm0, $0xb8;
	[tilespmem:$0x18100] =	vst v63  }
0x262: {  	s8 =	simm.s32 $0x1100  }
0x263: {  	[tilespmem:s8], [sflag:$0x1] =	stream.indirect_vreg.gather [hbm4b:s16+s6], $0x80, v4, vm0, $0xb8;
	[tilespmem:$0x18100] =	vst v63  }
0x264: {  	s31 =	simm.s32 $0x1900  }
0x265: {  	[tilespmem:s31], [sflag:$0x1] =	stream.indirect_vreg.gather [hbm4b:s3+s6], $0x80, v3, vm0, $0xb8;
	[tilespmem:$0x18100] =	vst v63  }
0x266: {  	s0 =	simm.s32 $0x2100  }
0x267: {  	[tilespmem:s0], [sflag:$0x1] =	stream.indirect_vreg.gather [hbm4b:s15+s6], $0x80, v3, vm0, $0xb8;
	[tilespmem:$0x18100] =	vst v63  }
0x268: {  	s29 =	simm.s32 $0x2900  }
0x269: {  	[tilespmem:s29], [sflag:$0x1] =	stream.indirect_vreg.gather [hbm4b:s16+s6], $0x80, v3, vm0, $0xb8;
	[tilespmem:$0x18100] =	vst v63  }
0x26a: {  	v3 =	vld [tilespmem:$0x10];
	_ =	sdelay $0x4  }
0x26b: {  	v41 =	vshrl.u32 v3, $0x3  }
0x26c: {  	v4 =	vmul.u32 $0x30, v41  }
0x26d: {  	v3 =	vand.u32 $0x7, v3  }
0x26e: {  	v3 =	vor.u32 v3, v4  }
0x26f: {  	v4 =	vperm.xlane v3, v0;
	_ =	sdelay $0x1  }
0x270: {  	v4 =	vadd.s32 v1, v4;
	_ =	sdelay $0x3  }
0x271: {  	s30 =	simm.s32 $0x3100;
	v3 =	vperm.xlane v3, v2  }
0x272: {  	[tilespmem:s30], [sflag:$0x1] =	stream.indirect_vreg.gather [hbm4b:s3+s6], $0x80, v4, vm0, $0xb8;
	[tilespmem:$0x18100] =	vst v63  }
0x273: {  	s1 =	simm.s32 $0x3900;
	v3 =	vadd.s32 v1, v3  }
0x274: {  	[tilespmem:s1], [sflag:$0x1] =	stream.indirect_vreg.gather [hbm4b:s15+s6], $0x80, v4, vm0, $0xb8;
	[tilespmem:$0x18100] =	vst v63  }
0x275: {  	s31 =	simm.s32 $0x4100  }
0x276: {  	[tilespmem:s31], [sflag:$0x1] =	stream.indirect_vreg.gather [hbm4b:s16+s6], $0x80, v4, vm0, $0xb8;
	[tilespmem:$0x18100] =	vst v63  }
0x277: {  	s2 =	simm.s32 $0x4900  }
0x278: {  	[tilespmem:s2], [sflag:$0x1] =	stream.indirect_vreg.gather [hbm4b:s3+s6], $0x80, v3, vm0, $0xb8;
	[tilespmem:$0x18100] =	vst v63  }
0x279: {  	s1 =	simm.s32 $0x5100  }
0x27a: {  	[tilespmem:s1], [sflag:$0x1] =	stream.indirect_vreg.gather [hbm4b:s15+s6], $0x80, v3, vm0, $0xb8;
	[tilespmem:$0x18100] =	vst v63  }
0x27b: {  	s8 =	simm.s32 $0x5900  }
0x27c: {  	[tilespmem:s8], [sflag:$0x1] =	stream.indirect_vreg.gather [hbm4b:s16+s6], $0x80, v3, vm0, $0xb8;
	[tilespmem:$0x18100] =	vst v63  }
0x27d: {  	v3 =	vld [tilespmem:$0x20];
	_ =	sdelay $0x4  }
0x27e: {  	v42 =	vshrl.u32 v3, $0x3  }
0x27f: {  	v4 =	vmul.u32 $0x30, v42  }
0x280: {  	v3 =	vand.u32 $0x7, v3  }
0x281: {  	v3 =	vor.u32 v3, v4  }
0x282: {  	v4 =	vperm.xlane v3, v0;
	_ =	sdelay $0x1  }
0x283: {  	v4 =	vadd.s32 v1, v4;
	_ =	sdelay $0x3  }
0x284: {  	s21 =	simm.s32 $0x6100;
	v3 =	vperm.xlane v3, v2  }
0x285: {  	[tilespmem:s21], [sflag:$0x1] =	stream.indirect_vreg.gather [hbm4b:s3+s6], $0x80, v4, vm0, $0xb8;
	[tilespmem:$0x18100] =	vst v63  }
0x286: {  	s4 =	simm.s32 $0x6900;
	v3 =	vadd.s32 v1, v3  }
0x287: {  	[tilespmem:s4], [sflag:$0x1] =	stream.indirect_vreg.gather [hbm4b:s15+s6], $0x80, v4, vm0, $0xb8;
	[tilespmem:$0x18100] =	vst v63  }
0x288: {  	s5 =	simm.s32 $0x7100  }
0x289: {  	[tilespmem:s5], [sflag:$0x1] =	stream.indirect_vreg.gather [hbm4b:s16+s6], $0x80, v4, vm0, $0xb8;
	[tilespmem:$0x18100] =	vst v63  }
0x28a: {  	s7 =	simm.s32 $0x7900  }
0x28b: {  	[tilespmem:s7], [sflag:$0x1] =	stream.indirect_vreg.gather [hbm4b:s3+s6], $0x80, v3, vm0, $0xb8;
	[tilespmem:$0x18100] =	vst v63  }
0x28c: {  	s1 =	simm.s32 $0x8100  }
0x28d: {  	[tilespmem:s1], [sflag:$0x1] =	stream.indirect_vreg.gather [hbm4b:s15+s6], $0x80, v3, vm0, $0xb8;
	[tilespmem:$0x18100] =	vst v63  }
0x28e: {  	s29 =	simm.s32 $0x8900  }
0x28f: {  	[tilespmem:s29], [sflag:$0x1] =	stream.indirect_vreg.gather [hbm4b:s16+s6], $0x80, v3, vm0, $0xb8;
	[tilespmem:$0x18100] =	vst v63  }
0x290: {  	v3 =	vld [tilespmem:$0x30];
	_ =	sdelay $0x4  }
0x291: {  	v43 =	vshrl.u32 v3, $0x3  }
0x292: {  	v4 =	vmul.u32 $0x30, v43  }
0x293: {  	v3 =	vand.u32 $0x7, v3  }
0x294: {  	v3 =	vor.u32 v3, v4  }
0x295: {  	v4 =	vperm.xlane v3, v0;
	_ =	sdelay $0x1  }
0x296: {  	v4 =	vadd.s32 v1, v4;
	_ =	sdelay $0x3  }
0x297: {  	s30 =	simm.s32 $0x9100;
	v3 =	vperm.xlane v3, v2  }
0x298: {  	[tilespmem:s30], [sflag:$0x1] =	stream.indirect_vreg.gather [hbm4b:s3+s6], $0x80, v4, vm0, $0xb8;
	[tilespmem:$0x18100] =	vst v63  }
0x299: {  	s31 =	simm.s32 $0x9900;
	v3 =	vadd.s32 v1, v3  }
0x29a: {  	[tilespmem:s31], [sflag:$0x1] =	stream.indirect_vreg.gather [hbm4b:s15+s6], $0x80, v4, vm0, $0xb8;
	[tilespmem:$0x18100] =	vst v63  }
0x29b: {  	s4 =	simm.s32 $0xA100  }
0x29c: {  	[tilespmem:s4], [sflag:$0x1] =	stream.indirect_vreg.gather [hbm4b:s16+s6], $0x80, v4, vm0, $0xb8;
	[tilespmem:$0x18100] =	vst v63  }
0x29d: {  	s5 =	simm.s32 $0xA900  }
0x29e: {  	[tilespmem:s5], [sflag:$0x1] =	stream.indirect_vreg.gather [hbm4b:s3+s6], $0x80, v3, vm0, $0xb8;
	[tilespmem:$0x18100] =	vst v63  }
0x29f: {  	s7 =	simm.s32 $0xB100  }
0x2a0: {  	[tilespmem:s7], [sflag:$0x1] =	stream.indirect_vreg.gather [hbm4b:s15+s6], $0x80, v3, vm0, $0xb8;
	[tilespmem:$0x18100] =	vst v63  }
0x2a1: {  	s7 =	simm.s32 $0xB900  }
0x2a2: {  	[tilespmem:s7], [sflag:$0x1] =	stream.indirect_vreg.gather [hbm4b:s16+s6], $0x80, v3, vm0, $0xb8;
	[tilespmem:$0x18100] =	vst v63  }
0x2a3: {  	_ =	swait.ge [sflag:s25], $0xC000  }
0x2a4: {  	[sflag:s25] =	ssyncset.done $0x0  }
0x2a5: {  	s8 =	rddreg [dreg:$0x19];
	[sflag:s25] =	ssyncadd.s32 $0xFFFF4000  }
0x2a6: {  	[hbm4b:s8+s6] =	stream.linear.scatter [tilespmem:s28], [sflag:$0x4], $0xC000, $0x38;
	[tilespmem:$0x18100] =	vst v63  }
0x2a7: {  	s21 =	rddreg [dreg:$0x1a]  }
0x2a8: {  	[hbm4b:s21+s6] =	stream.linear.scatter [tilespmem:s28], [sflag:$0x4], $0xC000, $0x38;
	[tilespmem:$0x18100] =	vst v63  }
0x2a9: {  	_ =	swait.ge [sflag:s26], $0xC000  }
0x2aa: {  	[sflag:s26] =	ssyncset.done $0x0  }
0x2ab: {  	[sflag:s26] =	ssyncadd.s32 $0xFFFF4000  }
0x2ac: {  	_ =	swait.ge [sflag:s26], $0xC000  }
0x2ad: {  	[sflag:s26] =	ssyncset.done $0x0  }
0x2ae: {  	[sflag:s26] =	ssyncadd.s32 $0xFFFF4000  }
0x2af: {  	v3 =	vld [tilespmem:$0x80];
	_ =	sdelay $0x4  }
0x2b0: {  	v44 =	vshrl.u32 v3, $0x3  }
0x2b1: {  	v4 =	vmul.u32 $0x30, v44  }
0x2b2: {  	v3 =	vand.u32 $0x7, v3  }
0x2b3: {  	v3 =	vor.u32 v3, v4  }
0x2b4: {  	v4 =	vperm.xlane v3, v0;
	_ =	sdelay $0x1  }
0x2b5: {  	v4 =	vadd.s32 v1, v4;
	_ =	sdelay $0x3  }
0x2b6: {  	v3 =	vperm.xlane v3, v2  }
0x2b7: {  	[tilespmem:s28], [sflag:$0x2] =	stream.indirect_vreg.gather [hbm4b:s3+s6], $0x80, v4, vm0, $0xb8;
	[tilespmem:$0x18100] =	vst v63  }
0x2b8: {  	s30 =	simm.s32 $0xC900;
	v3 =	vadd.s32 v1, v3  }
0x2b9: {  	[tilespmem:s30], [sflag:$0x2] =	stream.indirect_vreg.gather [hbm4b:s15+s6], $0x80, v4, vm0, $0xb8;
	[tilespmem:$0x18100] =	vst v63  }
0x2ba: {  	s4 =	simm.s32 $0xD100  }
0x2bb: {  	[tilespmem:s4], [sflag:$0x2] =	stream.indirect_vreg.gather [hbm4b:s16+s6], $0x80, v4, vm0, $0xb8;
	[tilespmem:$0x18100] =	vst v63  }
0x2bc: {  	s5 =	simm.s32 $0xD900  }
0x2bd: {  	[tilespmem:s5], [sflag:$0x2] =	stream.indirect_vreg.gather [hbm4b:s3+s6], $0x80, v3, vm0, $0xb8;
	[tilespmem:$0x18100] =	vst v63  }
0x2be: {  	s8 =	simm.s32 $0xE100  }
0x2bf: {  	[tilespmem:s8], [sflag:$0x2] =	stream.indirect_vreg.gather [hbm4b:s15+s6], $0x80, v3, vm0, $0xb8;
	[tilespmem:$0x18100] =	vst v63  }
0x2c0: {  	s31 =	simm.s32 $0xE900  }
0x2c1: {  	[tilespmem:s31], [sflag:$0x2] =	stream.indirect_vreg.gather [hbm4b:s16+s6], $0x80, v3, vm0, $0xb8;
	[tilespmem:$0x18100] =	vst v63  }
0x2c2: {  	v3 =	vld [tilespmem:$0x90];
	_ =	sdelay $0x4  }
0x2c3: {  	v45 =	vshrl.u32 v3, $0x3  }
0x2c4: {  	v4 =	vmul.u32 $0x30, v45  }
0x2c5: {  	v3 =	vand.u32 $0x7, v3  }
0x2c6: {  	v3 =	vor.u32 v3, v4  }
0x2c7: {  	v4 =	vperm.xlane v3, v0;
	_ =	sdelay $0x1  }
0x2c8: {  	v4 =	vadd.s32 v1, v4;
	_ =	sdelay $0x3  }
0x2c9: {  	s21 =	simm.s32 $0xF100;
	v3 =	vperm.xlane v3, v2  }
0x2ca: {  	[tilespmem:s21], [sflag:$0x2] =	stream.indirect_vreg.gather [hbm4b:s3+s6], $0x80, v4, vm0, $0xb8;
	[tilespmem:$0x18100] =	vst v63  }
0x2cb: {  	v3 =	vadd.s32 v1, v3;
	s21 =	simm.s32 $0xF900  }
0x2cc: {  	[tilespmem:s21], [sflag:$0x2] =	stream.indirect_vreg.gather [hbm4b:s15+s6], $0x80, v4, vm0, $0xb8;
	[tilespmem:$0x18100] =	vst v63  }
0x2cd: {  	s31 =	simm.s32 $0x10100  }
0x2ce: {  	[tilespmem:s31], [sflag:$0x2] =	stream.indirect_vreg.gather [hbm4b:s16+s6], $0x80, v4, vm0, $0xb8;
	[tilespmem:$0x18100] =	vst v63  }
0x2cf: {  	s29 =	simm.s32 $0x10900  }
0x2d0: {  	[tilespmem:s29], [sflag:$0x2] =	stream.indirect_vreg.gather [hbm4b:s3+s6], $0x80, v3, vm0, $0xb8;
	[tilespmem:$0x18100] =	vst v63  }
0x2d1: {  	s30 =	simm.s32 $0x11100  }
0x2d2: {  	[tilespmem:s30], [sflag:$0x2] =	stream.indirect_vreg.gather [hbm4b:s15+s6], $0x80, v3, vm0, $0xb8;
	[tilespmem:$0x18100] =	vst v63  }
0x2d3: {  	s29 =	simm.s32 $0x11900  }
0x2d4: {  	[tilespmem:s29], [sflag:$0x2] =	stream.indirect_vreg.gather [hbm4b:s16+s6], $0x80, v3, vm0, $0xb8;
	[tilespmem:$0x18100] =	vst v63  }
0x2d5: {  	v3 =	vld [tilespmem:$0xA0];
	_ =	sdelay $0x4  }
0x2d6: {  	v46 =	vshrl.u32 v3, $0x3  }
0x2d7: {  	v4 =	vmul.u32 $0x30, v46  }
0x2d8: {  	v3 =	vand.u32 $0x7, v3  }
0x2d9: {  	v3 =	vor.u32 v3, v4  }
0x2da: {  	v4 =	vperm.xlane v3, v0;
	_ =	sdelay $0x1  }
0x2db: {  	v4 =	vadd.s32 v1, v4;
	_ =	sdelay $0x3  }
0x2dc: {  	s30 =	simm.s32 $0x12100;
	v3 =	vperm.xlane v3, v2  }
0x2dd: {  	[tilespmem:s30], [sflag:$0x2] =	stream.indirect_vreg.gather [hbm4b:s3+s6], $0x80, v4, vm0, $0xb8;
	[tilespmem:$0x18100] =	vst v63  }
0x2de: {  	s29 =	simm.s32 $0x12900;
	v3 =	vadd.s32 v1, v3  }
0x2df: {  	[tilespmem:s29], [sflag:$0x2] =	stream.indirect_vreg.gather [hbm4b:s15+s6], $0x80, v4, vm0, $0xb8;
	[tilespmem:$0x18100] =	vst v63  }
0x2e0: {  	s30 =	simm.s32 $0x13100  }
0x2e1: {  	[tilespmem:s30], [sflag:$0x2] =	stream.indirect_vreg.gather [hbm4b:s16+s6], $0x80, v4, vm0, $0xb8;
	[tilespmem:$0x18100] =	vst v63  }
0x2e2: {  	s29 =	simm.s32 $0x13900  }
0x2e3: {  	[tilespmem:s29], [sflag:$0x2] =	stream.indirect_vreg.gather [hbm4b:s3+s6], $0x80, v3, vm0, $0xb8;
	[tilespmem:$0x18100] =	vst v63  }
0x2e4: {  	s30 =	simm.s32 $0x14100  }
0x2e5: {  	[tilespmem:s30], [sflag:$0x2] =	stream.indirect_vreg.gather [hbm4b:s15+s6], $0x80, v3, vm0, $0xb8;
	[tilespmem:$0x18100] =	vst v63  }
0x2e6: {  	s29 =	simm.s32 $0x14900  }
0x2e7: {  	[tilespmem:s29], [sflag:$0x2] =	stream.indirect_vreg.gather [hbm4b:s16+s6], $0x80, v3, vm0, $0xb8;
	[tilespmem:$0x18100] =	vst v63  }
0x2e8: {  	v3 =	vld [tilespmem:$0xB0];
	_ =	sdelay $0x4  }
0x2e9: {  	v47 =	vshrl.u32 v3, $0x3  }
0x2ea: {  	v4 =	vmul.u32 $0x30, v47  }
0x2eb: {  	v3 =	vand.u32 $0x7, v3  }
0x2ec: {  	v3 =	vor.u32 v3, v4  }
0x2ed: {  	v4 =	vperm.xlane v3, v0;
	_ =	sdelay $0x1  }
0x2ee: {  	v4 =	vadd.s32 v1, v4;
	_ =	sdelay $0x3  }
0x2ef: {  	s30 =	simm.s32 $0x15100;
	v3 =	vperm.xlane v3, v2  }
0x2f0: {  	[tilespmem:s30], [sflag:$0x2] =	stream.indirect_vreg.gather [hbm4b:s3+s6], $0x80, v4, vm0, $0xb8;
	[tilespmem:$0x18100] =	vst v63  }
0x2f1: {  	s29 =	simm.s32 $0x15900;
	v3 =	vadd.s32 v1, v3  }
0x2f2: {  	[tilespmem:s29], [sflag:$0x2] =	stream.indirect_vreg.gather [hbm4b:s15+s6], $0x80, v4, vm0, $0xb8;
	[tilespmem:$0x18100] =	vst v63  }
0x2f3: {  	s30 =	simm.s32 $0x16100  }
0x2f4: {  	[tilespmem:s30], [sflag:$0x2] =	stream.indirect_vreg.gather [hbm4b:s16+s6], $0x80, v4, vm0, $0xb8;
	[tilespmem:$0x18100] =	vst v63  }
0x2f5: {  	s0 =	simm.s32 $0x16900  }
0x2f6: {  	[tilespmem:s0], [sflag:$0x2] =	stream.indirect_vreg.gather [hbm4b:s3+s6], $0x80, v3, vm0, $0xb8;
	[tilespmem:$0x18100] =	vst v63  }
0x2f7: {  	s29 =	simm.s32 $0x17100  }
0x2f8: {  	[tilespmem:s29], [sflag:$0x2] =	stream.indirect_vreg.gather [hbm4b:s15+s6], $0x80, v3, vm0, $0xb8;
	[tilespmem:$0x18100] =	vst v63  }
0x2f9: {  	s30 =	simm.s32 $0x17900  }
0x2fa: {  	[tilespmem:s30], [sflag:$0x2] =	stream.indirect_vreg.gather [hbm4b:s16+s6], $0x80, v3, vm0, $0xb8;
	[tilespmem:$0x18100] =	vst v63  }
0x2fb: {  	_ =	swait.ge [sflag:s22], $0xC000  }
0x2fc: {  	[sflag:s22] =	ssyncset.done $0x0  }
0x2fd: {  	s29 =	rddreg [dreg:$0x1b];
	[sflag:s22] =	ssyncadd.s32 $0xFFFF4000  }
0x2fe: {  	[hbm4b:s29+s6] =	stream.linear.scatter [tilespmem:s23], [sflag:$0x3], $0xC000, $0x38;
	[tilespmem:$0x18100] =	vst v63  }
0x2ff: {  	s3 =	rddreg [dreg:$0x1c]  }
0x300: {  	[hbm4b:s3+s6] =	stream.linear.scatter [tilespmem:s23], [sflag:$0x3], $0xC000, $0x38;
	[tilespmem:$0x18100] =	vst v63  }
0x301: {  	_ =	swait.ge [sflag:s24], $0xC000  }
0x302: {  	[sflag:s24] =	ssyncset.done $0x0  }
0x303: {  	[sflag:s24] =	ssyncadd.s32 $0xFFFF4000  }
0x304: {  	_ =	swait.ge [sflag:s24], $0xC000  }
0x305: {  	[sflag:s24] =	ssyncset.done $0x0  }
0x306: {  	[sflag:s24] =	ssyncadd.s32 $0xFFFF4000  }
0x307: {  	v3 =	vld [tilespmem:$0x0];
	_ =	sdelay $0x4  }
0x308: {  	v48 =	vshrl.u32 v3, $0x3  }
0x309: {  	v4 =	vmul.u32 $0x30, v48  }
0x30a: {  	v3 =	vand.u32 $0x7, v3  }
0x30b: {  	v3 =	vor.u32 v3, v4  }
0x30c: {  	v4 =	vperm.xlane v3, v0;
	_ =	sdelay $0x1  }
0x30d: {  	v4 =	vadd.s32 v1, v4;
	_ =	sdelay $0x3  }
0x30e: {  	s3 =	rddreg [dreg:$0x5];
	v3 =	vperm.xlane v3, v2  }
0x30f: {  	[tilespmem:s23], [sflag:$0x1] =	stream.indirect_vreg.gather [hbm4b:s3+s6], $0x80, v4, vm0, $0xb8;
	[tilespmem:$0x18100] =	vst v63  }
0x310: {  	s30 =	simm.s32 $0x900;
	v3 =	vadd.s32 v1, v3  }
0x311: {  	[tilespmem:s30], [sflag:$0x1] =	stream.indirect_vreg.gather [hbm4b:s17+s6], $0x80, v4, vm0, $0xb8;
	[tilespmem:$0x18100] =	vst v63  }
0x312: {  	s30 =	simm.s32 $0x1100  }
0x313: {  	[tilespmem:s30], [sflag:$0x1] =	stream.indirect_vreg.gather [hbm4b:s18+s6], $0x80, v4, vm0, $0xb8;
	[tilespmem:$0x18100] =	vst v63  }
0x314: {  	s30 =	simm.s32 $0x1900  }
0x315: {  	[tilespmem:s30], [sflag:$0x1] =	stream.indirect_vreg.gather [hbm4b:s3+s6], $0x80, v3, vm0, $0xb8;
	[tilespmem:$0x18100] =	vst v63  }
0x316: {  	s30 =	simm.s32 $0x2100  }
0x317: {  	[tilespmem:s30], [sflag:$0x1] =	stream.indirect_vreg.gather [hbm4b:s17+s6], $0x80, v3, vm0, $0xb8;
	[tilespmem:$0x18100] =	vst v63  }
0x318: {  	s30 =	simm.s32 $0x2900  }
0x319: {  	[tilespmem:s30], [sflag:$0x1] =	stream.indirect_vreg.gather [hbm4b:s18+s6], $0x80, v3, vm0, $0xb8;
	[tilespmem:$0x18100] =	vst v63  }
0x31a: {  	v3 =	vld [tilespmem:$0x10];
	_ =	sdelay $0x4  }
0x31b: {  	v49 =	vshrl.u32 v3, $0x3  }
0x31c: {  	v4 =	vmul.u32 $0x30, v49  }
0x31d: {  	v3 =	vand.u32 $0x7, v3  }
0x31e: {  	v3 =	vor.u32 v3, v4  }
0x31f: {  	v4 =	vperm.xlane v3, v0;
	_ =	sdelay $0x1  }
0x320: {  	v4 =	vadd.s32 v1, v4;
	_ =	sdelay $0x3  }
0x321: {  	s30 =	simm.s32 $0x3100;
	v3 =	vperm.xlane v3, v2  }
0x322: {  	[tilespmem:s30], [sflag:$0x1] =	stream.indirect_vreg.gather [hbm4b:s3+s6], $0x80, v4, vm0, $0xb8;
	[tilespmem:$0x18100] =	vst v63  }
0x323: {  	v3 =	vadd.s32 v1, v3;
	s30 =	simm.s32 $0x3900  }
0x324: {  	[tilespmem:s30], [sflag:$0x1] =	stream.indirect_vreg.gather [hbm4b:s17+s6], $0x80, v4, vm0, $0xb8;
	[tilespmem:$0x18100] =	vst v63  }
0x325: {  	s30 =	simm.s32 $0x4100  }
0x326: {  	[tilespmem:s30], [sflag:$0x1] =	stream.indirect_vreg.gather [hbm4b:s18+s6], $0x80, v4, vm0, $0xb8;
	[tilespmem:$0x18100] =	vst v63  }
0x327: {  	_ = 	snop  }
0x328: {  	[tilespmem:s2], [sflag:$0x1] =	stream.indirect_vreg.gather [hbm4b:s3+s6], $0x80, v3, vm0, $0xb8;
	[tilespmem:$0x18100] =	vst v63  }
0x329: {  	s30 =	simm.s32 $0x5100  }
0x32a: {  	[tilespmem:s30], [sflag:$0x1] =	stream.indirect_vreg.gather [hbm4b:s17+s6], $0x80, v3, vm0, $0xb8;
	[tilespmem:$0x18100] =	vst v63  }
0x32b: {  	s30 =	simm.s32 $0x5900  }
0x32c: {  	[tilespmem:s30], [sflag:$0x1] =	stream.indirect_vreg.gather [hbm4b:s18+s6], $0x80, v3, vm0, $0xb8;
	[tilespmem:$0x18100] =	vst v63  }
0x32d: {  	v3 =	vld [tilespmem:$0x20];
	_ =	sdelay $0x4  }
0x32e: {  	v50 =	vshrl.u32 v3, $0x3  }
0x32f: {  	v4 =	vmul.u32 $0x30, v50  }
0x330: {  	v3 =	vand.u32 $0x7, v3  }
0x331: {  	v3 =	vor.u32 v3, v4  }
0x332: {  	v4 =	vperm.xlane v3, v0;
	_ =	sdelay $0x1  }
0x333: {  	v4 =	vadd.s32 v1, v4;
	_ =	sdelay $0x3  }
0x334: {  	s30 =	simm.s32 $0x6100;
	v3 =	vperm.xlane v3, v2  }
0x335: {  	[tilespmem:s30], [sflag:$0x1] =	stream.indirect_vreg.gather [hbm4b:s3+s6], $0x80, v4, vm0, $0xb8;
	[tilespmem:$0x18100] =	vst v63  }
0x336: {  	v3 =	vadd.s32 v1, v3;
	s30 =	simm.s32 $0x6900  }
0x337: {  	[tilespmem:s30], [sflag:$0x1] =	stream.indirect_vreg.gather [hbm4b:s17+s6], $0x80, v4, vm0, $0xb8;
	[tilespmem:$0x18100] =	vst v63  }
0x338: {  	s30 =	simm.s32 $0x7100  }
0x339: {  	[tilespmem:s30], [sflag:$0x1] =	stream.indirect_vreg.gather [hbm4b:s18+s6], $0x80, v4, vm0, $0xb8;
	[tilespmem:$0x18100] =	vst v63  }
0x33a: {  	s30 =	simm.s32 $0x7900  }
0x33b: {  	[tilespmem:s30], [sflag:$0x1] =	stream.indirect_vreg.gather [hbm4b:s3+s6], $0x80, v3, vm0, $0xb8;
	[tilespmem:$0x18100] =	vst v63  }
0x33c: {  	_ = 	snop  }
0x33d: {  	[tilespmem:s1], [sflag:$0x1] =	stream.indirect_vreg.gather [hbm4b:s17+s6], $0x80, v3, vm0, $0xb8;
	[tilespmem:$0x18100] =	vst v63  }
0x33e: {  	s30 =	simm.s32 $0x8900  }
0x33f: {  	[tilespmem:s30], [sflag:$0x1] =	stream.indirect_vreg.gather [hbm4b:s18+s6], $0x80, v3, vm0, $0xb8;
	[tilespmem:$0x18100] =	vst v63  }
0x340: {  	v3 =	vld [tilespmem:$0x30];
	_ =	sdelay $0x4  }
0x341: {  	v51 =	vshrl.u32 v3, $0x3  }
0x342: {  	v4 =	vmul.u32 $0x30, v51  }
0x343: {  	v3 =	vand.u32 $0x7, v3  }
0x344: {  	v3 =	vor.u32 v3, v4  }
0x345: {  	v4 =	vperm.xlane v3, v0;
	_ =	sdelay $0x1  }
0x346: {  	v4 =	vadd.s32 v1, v4;
	_ =	sdelay $0x3  }
0x347: {  	s30 =	simm.s32 $0x9100;
	v3 =	vperm.xlane v3, v2  }
0x348: {  	[tilespmem:s30], [sflag:$0x1] =	stream.indirect_vreg.gather [hbm4b:s3+s6], $0x80, v4, vm0, $0xb8;
	[tilespmem:$0x18100] =	vst v63  }
0x349: {  	v3 =	vadd.s32 v1, v3;
	s30 =	simm.s32 $0x9900  }
0x34a: {  	[tilespmem:s30], [sflag:$0x1] =	stream.indirect_vreg.gather [hbm4b:s17+s6], $0x80, v4, vm0, $0xb8;
	[tilespmem:$0x18100] =	vst v63  }
0x34b: {  	s30 =	simm.s32 $0xA100  }
0x34c: {  	[tilespmem:s30], [sflag:$0x1] =	stream.indirect_vreg.gather [hbm4b:s18+s6], $0x80, v4, vm0, $0xb8;
	[tilespmem:$0x18100] =	vst v63  }
0x34d: {  	s30 =	simm.s32 $0xA900  }
0x34e: {  	[tilespmem:s30], [sflag:$0x1] =	stream.indirect_vreg.gather [hbm4b:s3+s6], $0x80, v3, vm0, $0xb8;
	[tilespmem:$0x18100] =	vst v63  }
0x34f: {  	s30 =	simm.s32 $0xB100  }
0x350: {  	[tilespmem:s30], [sflag:$0x1] =	stream.indirect_vreg.gather [hbm4b:s17+s6], $0x80, v3, vm0, $0xb8;
	[tilespmem:$0x18100] =	vst v63  }
0x351: {  	_ = 	snop  }
0x352: {  	[tilespmem:s7], [sflag:$0x1] =	stream.indirect_vreg.gather [hbm4b:s18+s6], $0x80, v3, vm0, $0xb8;
	[tilespmem:$0x18100] =	vst v63  }
0x353: {  	_ =	swait.ge [sflag:s25], $0xC000  }
0x354: {  	[sflag:s25] =	ssyncset.done $0x0  }
0x355: {  	s29 =	rddreg [dreg:$0x1d];
	[sflag:s25] =	ssyncadd.s32 $0xFFFF4000  }
0x356: {  	[hbm4b:s29+s6] =	stream.linear.scatter [tilespmem:s28], [sflag:$0x4], $0xC000, $0x38;
	[tilespmem:$0x18100] =	vst v63  }
0x357: {  	s7 =	rddreg [dreg:$0x1e]  }
0x358: {  	[hbm4b:s7+s6] =	stream.linear.scatter [tilespmem:s28], [sflag:$0x4], $0xC000, $0x38;
	[tilespmem:$0x18100] =	vst v63  }
0x359: {  	_ =	swait.ge [sflag:s26], $0xC000  }
0x35a: {  	[sflag:s26] =	ssyncset.done $0x0  }
0x35b: {  	[sflag:s26] =	ssyncadd.s32 $0xFFFF4000  }
0x35c: {  	_ =	swait.ge [sflag:s26], $0xC000  }
0x35d: {  	[sflag:s26] =	ssyncset.done $0x0  }
0x35e: {  	[sflag:s26] =	ssyncadd.s32 $0xFFFF4000  }
0x35f: {  	v3 =	vld [tilespmem:$0x80];
	_ =	sdelay $0x4  }
0x360: {  	v52 =	vshrl.u32 v3, $0x3  }
0x361: {  	v4 =	vmul.u32 $0x30, v52  }
0x362: {  	v3 =	vand.u32 $0x7, v3  }
0x363: {  	v3 =	vor.u32 v3, v4  }
0x364: {  	v4 =	vperm.xlane v3, v0;
	_ =	sdelay $0x1  }
0x365: {  	v4 =	vadd.s32 v1, v4;
	_ =	sdelay $0x3  }
0x366: {  	v3 =	vperm.xlane v3, v2  }
0x367: {  	[tilespmem:s28], [sflag:$0x2] =	stream.indirect_vreg.gather [hbm4b:s3+s6], $0x80, v4, vm0, $0xb8;
	[tilespmem:$0x18100] =	vst v63  }
0x368: {  	s30 =	simm.s32 $0xC900;
	v3 =	vadd.s32 v1, v3  }
0x369: {  	[tilespmem:s30], [sflag:$0x2] =	stream.indirect_vreg.gather [hbm4b:s17+s6], $0x80, v4, vm0, $0xb8;
	[tilespmem:$0x18100] =	vst v63  }
0x36a: {  	_ = 	snop  }
0x36b: {  	[tilespmem:s4], [sflag:$0x2] =	stream.indirect_vreg.gather [hbm4b:s18+s6], $0x80, v4, vm0, $0xb8;
	[tilespmem:$0x18100] =	vst v63  }
0x36c: {  	_ = 	snop  }
0x36d: {  	[tilespmem:s5], [sflag:$0x2] =	stream.indirect_vreg.gather [hbm4b:s3+s6], $0x80, v3, vm0, $0xb8;
	[tilespmem:$0x18100] =	vst v63  }
0x36e: {  	_ = 	snop  }
0x36f: {  	[tilespmem:s8], [sflag:$0x2] =	stream.indirect_vreg.gather [hbm4b:s17+s6], $0x80, v3, vm0, $0xb8;
	[tilespmem:$0x18100] =	vst v63  }
0x370: {  	s29 =	simm.s32 $0xE900  }
0x371: {  	[tilespmem:s29], [sflag:$0x2] =	stream.indirect_vreg.gather [hbm4b:s18+s6], $0x80, v3, vm0, $0xb8;
	[tilespmem:$0x18100] =	vst v63  }
0x372: {  	v3 =	vld [tilespmem:$0x90];
	_ =	sdelay $0x4  }
0x373: {  	v53 =	vshrl.u32 v3, $0x3  }
0x374: {  	v4 =	vmul.u32 $0x30, v53  }
0x375: {  	v3 =	vand.u32 $0x7, v3  }
0x376: {  	v3 =	vor.u32 v3, v4  }
0x377: {  	v4 =	vperm.xlane v3, v0;
	_ =	sdelay $0x1  }
0x378: {  	v4 =	vadd.s32 v1, v4;
	_ =	sdelay $0x3  }
0x379: {  	s30 =	simm.s32 $0xF100;
	v3 =	vperm.xlane v3, v2  }
0x37a: {  	[tilespmem:s30], [sflag:$0x2] =	stream.indirect_vreg.gather [hbm4b:s3+s6], $0x80, v4, vm0, $0xb8;
	[tilespmem:$0x18100] =	vst v63  }
0x37b: {  	v3 =	vadd.s32 v1, v3  }
0x37c: {  	[tilespmem:s21], [sflag:$0x2] =	stream.indirect_vreg.gather [hbm4b:s17+s6], $0x80, v4, vm0, $0xb8;
	[tilespmem:$0x18100] =	vst v63  }
0x37d: {  	_ = 	snop  }
0x37e: {  	[tilespmem:s31], [sflag:$0x2] =	stream.indirect_vreg.gather [hbm4b:s18+s6], $0x80, v4, vm0, $0xb8;
	[tilespmem:$0x18100] =	vst v63  }
0x37f: {  	s29 =	simm.s32 $0x10900  }
0x380: {  	[tilespmem:s29], [sflag:$0x2] =	stream.indirect_vreg.gather [hbm4b:s3+s6], $0x80, v3, vm0, $0xb8;
	[tilespmem:$0x18100] =	vst v63  }
0x381: {  	s30 =	simm.s32 $0x11100  }
0x382: {  	[tilespmem:s30], [sflag:$0x2] =	stream.indirect_vreg.gather [hbm4b:s17+s6], $0x80, v3, vm0, $0xb8;
	[tilespmem:$0x18100] =	vst v63  }
0x383: {  	s29 =	simm.s32 $0x11900  }
0x384: {  	[tilespmem:s29], [sflag:$0x2] =	stream.indirect_vreg.gather [hbm4b:s18+s6], $0x80, v3, vm0, $0xb8;
	[tilespmem:$0x18100] =	vst v63  }
0x385: {  	v3 =	vld [tilespmem:$0xA0];
	_ =	sdelay $0x4  }
0x386: {  	v54 =	vshrl.u32 v3, $0x3  }
0x387: {  	v4 =	vmul.u32 $0x30, v54  }
0x388: {  	v3 =	vand.u32 $0x7, v3  }
0x389: {  	v3 =	vor.u32 v3, v4  }
0x38a: {  	v4 =	vperm.xlane v3, v0;
	_ =	sdelay $0x1  }
0x38b: {  	v4 =	vadd.s32 v1, v4;
	_ =	sdelay $0x3  }
0x38c: {  	s30 =	simm.s32 $0x12100;
	v3 =	vperm.xlane v3, v2  }
0x38d: {  	[tilespmem:s30], [sflag:$0x2] =	stream.indirect_vreg.gather [hbm4b:s3+s6], $0x80, v4, vm0, $0xb8;
	[tilespmem:$0x18100] =	vst v63  }
0x38e: {  	s29 =	simm.s32 $0x12900;
	v3 =	vadd.s32 v1, v3  }
0x38f: {  	[tilespmem:s29], [sflag:$0x2] =	stream.indirect_vreg.gather [hbm4b:s17+s6], $0x80, v4, vm0, $0xb8;
	[tilespmem:$0x18100] =	vst v63  }
0x390: {  	s30 =	simm.s32 $0x13100  }
0x391: {  	[tilespmem:s30], [sflag:$0x2] =	stream.indirect_vreg.gather [hbm4b:s18+s6], $0x80, v4, vm0, $0xb8;
	[tilespmem:$0x18100] =	vst v63  }
0x392: {  	s29 =	simm.s32 $0x13900  }
0x393: {  	[tilespmem:s29], [sflag:$0x2] =	stream.indirect_vreg.gather [hbm4b:s3+s6], $0x80, v3, vm0, $0xb8;
	[tilespmem:$0x18100] =	vst v63  }
0x394: {  	s30 =	simm.s32 $0x14100  }
0x395: {  	[tilespmem:s30], [sflag:$0x2] =	stream.indirect_vreg.gather [hbm4b:s17+s6], $0x80, v3, vm0, $0xb8;
	[tilespmem:$0x18100] =	vst v63  }
0x396: {  	s29 =	simm.s32 $0x14900  }
0x397: {  	[tilespmem:s29], [sflag:$0x2] =	stream.indirect_vreg.gather [hbm4b:s18+s6], $0x80, v3, vm0, $0xb8;
	[tilespmem:$0x18100] =	vst v63  }
0x398: {  	v3 =	vld [tilespmem:$0xB0];
	_ =	sdelay $0x4  }
0x399: {  	v55 =	vshrl.u32 v3, $0x3  }
0x39a: {  	v4 =	vmul.u32 $0x30, v55  }
0x39b: {  	v3 =	vand.u32 $0x7, v3  }
0x39c: {  	v3 =	vor.u32 v3, v4  }
0x39d: {  	v4 =	vperm.xlane v3, v0;
	_ =	sdelay $0x1  }
0x39e: {  	v4 =	vadd.s32 v1, v4;
	_ =	sdelay $0x3  }
0x39f: {  	s30 =	simm.s32 $0x15100;
	v3 =	vperm.xlane v3, v2  }
0x3a0: {  	[tilespmem:s30], [sflag:$0x2] =	stream.indirect_vreg.gather [hbm4b:s3+s6], $0x80, v4, vm0, $0xb8;
	[tilespmem:$0x18100] =	vst v63  }
0x3a1: {  	s29 =	simm.s32 $0x15900;
	v3 =	vadd.s32 v1, v3  }
0x3a2: {  	[tilespmem:s29], [sflag:$0x2] =	stream.indirect_vreg.gather [hbm4b:s17+s6], $0x80, v4, vm0, $0xb8;
	[tilespmem:$0x18100] =	vst v63  }
0x3a3: {  	s30 =	simm.s32 $0x16100  }
0x3a4: {  	[tilespmem:s30], [sflag:$0x2] =	stream.indirect_vreg.gather [hbm4b:s18+s6], $0x80, v4, vm0, $0xb8;
	[tilespmem:$0x18100] =	vst v63  }
0x3a5: {  	_ = 	snop  }
0x3a6: {  	[tilespmem:s0], [sflag:$0x2] =	stream.indirect_vreg.gather [hbm4b:s3+s6], $0x80, v3, vm0, $0xb8;
	[tilespmem:$0x18100] =	vst v63  }
0x3a7: {  	s29 =	simm.s32 $0x17100  }
0x3a8: {  	[tilespmem:s29], [sflag:$0x2] =	stream.indirect_vreg.gather [hbm4b:s17+s6], $0x80, v3, vm0, $0xb8;
	[tilespmem:$0x18100] =	vst v63  }
0x3a9: {  	s30 =	simm.s32 $0x17900  }
0x3aa: {  	[tilespmem:s30], [sflag:$0x2] =	stream.indirect_vreg.gather [hbm4b:s18+s6], $0x80, v3, vm0, $0xb8;
	[tilespmem:$0x18100] =	vst v63  }
0x3ab: {  	_ =	swait.ge [sflag:s22], $0xC000  }
0x3ac: {  	s3 =	rddreg [dreg:$0x1f];
	[sflag:s22] =	ssyncset.done $0x0  }
0x3ad: {  	s7 =	sld [smem:$0x7F7];
	[sflag:s22] =	ssyncadd.s32 $0xFFFF4000  }
0x3ae: {  	[hbm4b:s3+s6] =	stream.linear.scatter [tilespmem:s23], [sflag:$0x3], $0xC000, $0x38;
	[tilespmem:$0x18100] =	vst v63  }
0x3af: {  	_ = 	snop  }
0x3b0: {  	[hbm4b:s7+s6] =	stream.linear.scatter [tilespmem:s23], [sflag:$0x3], $0xC000, $0x38;
	[tilespmem:$0x18100] =	vst v63  }
0x3b1: {  	_ =	swait.ge [sflag:s24], $0xC000  }
0x3b2: {  	[sflag:s24] =	ssyncset.done $0x0  }
0x3b3: {  	[sflag:s24] =	ssyncadd.s32 $0xFFFF4000  }
0x3b4: {  	_ =	swait.ge [sflag:s24], $0xC000  }
0x3b5: {  	[sflag:s24] =	ssyncset.done $0x0  }
0x3b6: {  	[sflag:s24] =	ssyncadd.s32 $0xFFFF4000  }
0x3b7: {  	v3 =	vld [tilespmem:$0x0];
	_ =	sdelay $0x4  }
0x3b8: {  	v56 =	vshrl.u32 v3, $0x3  }
0x3b9: {  	v4 =	vmul.u32 $0x30, v56  }
0x3ba: {  	v3 =	vand.u32 $0x7, v3  }
0x3bb: {  	v3 =	vor.u32 v3, v4  }
0x3bc: {  	v4 =	vperm.xlane v3, v0;
	_ =	sdelay $0x1  }
0x3bd: {  	v4 =	vadd.s32 v1, v4;
	_ =	sdelay $0x3  }
0x3be: {  	s3 =	rddreg [dreg:$0x6];
	v3 =	vperm.xlane v3, v2  }
0x3bf: {  	[tilespmem:s23], [sflag:$0x1] =	stream.indirect_vreg.gather [hbm4b:s3+s6], $0x80, v4, vm0, $0xb8;
	[tilespmem:$0x18100] =	vst v63  }
0x3c0: {  	s29 =	simm.s32 $0x900;
	v3 =	vadd.s32 v1, v3  }
0x3c1: {  	[tilespmem:s29], [sflag:$0x1] =	stream.indirect_vreg.gather [hbm4b:s19+s6], $0x80, v4, vm0, $0xb8;
	[tilespmem:$0x18100] =	vst v63  }
0x3c2: {  	s30 =	simm.s32 $0x1100  }
0x3c3: {  	[tilespmem:s30], [sflag:$0x1] =	stream.indirect_vreg.gather [hbm4b:s20+s6], $0x80, v4, vm0, $0xb8;
	[tilespmem:$0x18100] =	vst v63  }
0x3c4: {  	s30 =	simm.s32 $0x1900  }
0x3c5: {  	[tilespmem:s30], [sflag:$0x1] =	stream.indirect_vreg.gather [hbm4b:s3+s6], $0x80, v3, vm0, $0xb8;
	[tilespmem:$0x18100] =	vst v63  }
0x3c6: {  	s30 =	simm.s32 $0x2100  }
0x3c7: {  	[tilespmem:s30], [sflag:$0x1] =	stream.indirect_vreg.gather [hbm4b:s19+s6], $0x80, v3, vm0, $0xb8;
	[tilespmem:$0x18100] =	vst v63  }
0x3c8: {  	s30 =	simm.s32 $0x2900  }
0x3c9: {  	[tilespmem:s30], [sflag:$0x1] =	stream.indirect_vreg.gather [hbm4b:s20+s6], $0x80, v3, vm0, $0xb8;
	[tilespmem:$0x18100] =	vst v63  }
0x3ca: {  	v3 =	vld [tilespmem:$0x10];
	_ =	sdelay $0x4  }
0x3cb: {  	v57 =	vshrl.u32 v3, $0x3  }
0x3cc: {  	v4 =	vmul.u32 $0x30, v57  }
0x3cd: {  	v3 =	vand.u32 $0x7, v3  }
0x3ce: {  	v3 =	vor.u32 v3, v4  }
0x3cf: {  	v4 =	vperm.xlane v3, v0;
	_ =	sdelay $0x1  }
0x3d0: {  	v4 =	vadd.s32 v1, v4;
	_ =	sdelay $0x3  }
0x3d1: {  	s30 =	simm.s32 $0x3100;
	v3 =	vperm.xlane v3, v2  }
0x3d2: {  	[tilespmem:s30], [sflag:$0x1] =	stream.indirect_vreg.gather [hbm4b:s3+s6], $0x80, v4, vm0, $0xb8;
	[tilespmem:$0x18100] =	vst v63  }
0x3d3: {  	v3 =	vadd.s32 v1, v3;
	s30 =	simm.s32 $0x3900  }
0x3d4: {  	[tilespmem:s30], [sflag:$0x1] =	stream.indirect_vreg.gather [hbm4b:s19+s6], $0x80, v4, vm0, $0xb8;
	[tilespmem:$0x18100] =	vst v63  }
0x3d5: {  	s30 =	simm.s32 $0x4100  }
0x3d6: {  	[tilespmem:s30], [sflag:$0x1] =	stream.indirect_vreg.gather [hbm4b:s20+s6], $0x80, v4, vm0, $0xb8;
	[tilespmem:$0x18100] =	vst v63  }
0x3d7: {  	s2 =	simm.s32 $0x4900  }
0x3d8: {  	[tilespmem:s2], [sflag:$0x1] =	stream.indirect_vreg.gather [hbm4b:s3+s6], $0x80, v3, vm0, $0xb8;
	[tilespmem:$0x18100] =	vst v63  }
0x3d9: {  	s30 =	simm.s32 $0x5100  }
0x3da: {  	[tilespmem:s30], [sflag:$0x1] =	stream.indirect_vreg.gather [hbm4b:s19+s6], $0x80, v3, vm0, $0xb8;
	[tilespmem:$0x18100] =	vst v63  }
0x3db: {  	s29 =	simm.s32 $0x5900  }
0x3dc: {  	[tilespmem:s29], [sflag:$0x1] =	stream.indirect_vreg.gather [hbm4b:s20+s6], $0x80, v3, vm0, $0xb8;
	[tilespmem:$0x18100] =	vst v63  }
0x3dd: {  	v3 =	vld [tilespmem:$0x20];
	_ =	sdelay $0x4  }
0x3de: {  	v58 =	vshrl.u32 v3, $0x3  }
0x3df: {  	v4 =	vmul.u32 $0x30, v58  }
0x3e0: {  	v3 =	vand.u32 $0x7, v3  }
0x3e1: {  	v3 =	vor.u32 v3, v4  }
0x3e2: {  	v4 =	vperm.xlane v3, v0;
	_ =	sdelay $0x1  }
0x3e3: {  	v4 =	vadd.s32 v1, v4;
	_ =	sdelay $0x3  }
0x3e4: {  	s30 =	simm.s32 $0x6100;
	v3 =	vperm.xlane v3, v2  }
0x3e5: {  	[tilespmem:s30], [sflag:$0x1] =	stream.indirect_vreg.gather [hbm4b:s3+s6], $0x80, v4, vm0, $0xb8;
	[tilespmem:$0x18100] =	vst v63  }
0x3e6: {  	s29 =	simm.s32 $0x6900;
	v3 =	vadd.s32 v1, v3  }
0x3e7: {  	[tilespmem:s29], [sflag:$0x1] =	stream.indirect_vreg.gather [hbm4b:s19+s6], $0x80, v4, vm0, $0xb8;
	[tilespmem:$0x18100] =	vst v63  }
0x3e8: {  	s30 =	simm.s32 $0x7100  }
0x3e9: {  	[tilespmem:s30], [sflag:$0x1] =	stream.indirect_vreg.gather [hbm4b:s20+s6], $0x80, v4, vm0, $0xb8;
	[tilespmem:$0x18100] =	vst v63  }
0x3ea: {  	s29 =	simm.s32 $0x7900  }
0x3eb: {  	[tilespmem:s29], [sflag:$0x1] =	stream.indirect_vreg.gather [hbm4b:s3+s6], $0x80, v3, vm0, $0xb8;
	[tilespmem:$0x18100] =	vst v63  }
0x3ec: {  	s1 =	simm.s32 $0x8100  }
0x3ed: {  	[tilespmem:s1], [sflag:$0x1] =	stream.indirect_vreg.gather [hbm4b:s19+s6], $0x80, v3, vm0, $0xb8;
	[tilespmem:$0x18100] =	vst v63  }
0x3ee: {  	s30 =	simm.s32 $0x8900  }
0x3ef: {  	[tilespmem:s30], [sflag:$0x1] =	stream.indirect_vreg.gather [hbm4b:s20+s6], $0x80, v3, vm0, $0xb8;
	[tilespmem:$0x18100] =	vst v63  }
0x3f0: {  	v3 =	vld [tilespmem:$0x30];
	_ =	sdelay $0x4  }
0x3f1: {  	v59 =	vshrl.u32 v3, $0x3  }
0x3f2: {  	v4 =	vmul.u32 $0x30, v59  }
0x3f3: {  	v3 =	vand.u32 $0x7, v3  }
0x3f4: {  	v3 =	vor.u32 v3, v4  }
0x3f5: {  	v4 =	vperm.xlane v3, v0;
	_ =	sdelay $0x1  }
0x3f6: {  	v4 =	vadd.s32 v1, v4;
	_ =	sdelay $0x3  }
0x3f7: {  	s2 =	simm.s32 $0x9100;
	v3 =	vperm.xlane v3, v2  }
0x3f8: {  	[tilespmem:s2], [sflag:$0x1] =	stream.indirect_vreg.gather [hbm4b:s3+s6], $0x80, v4, vm0, $0xb8;
	[tilespmem:$0x18100] =	vst v63  }
0x3f9: {  	s29 =	simm.s32 $0x9900;
	v3 =	vadd.s32 v1, v3  }
0x3fa: {  	[tilespmem:s29], [sflag:$0x1] =	stream.indirect_vreg.gather [hbm4b:s19+s6], $0x80, v4, vm0, $0xb8;
	[tilespmem:$0x18100] =	vst v63  }
0x3fb: {  	s30 =	simm.s32 $0xA100  }
0x3fc: {  	[tilespmem:s30], [sflag:$0x1] =	stream.indirect_vreg.gather [hbm4b:s20+s6], $0x80, v4, vm0, $0xb8;
	[tilespmem:$0x18100] =	vst v63  }
0x3fd: {  	s2 =	simm.s32 $0xA900  }
0x3fe: {  	[tilespmem:s2], [sflag:$0x1] =	stream.indirect_vreg.gather [hbm4b:s3+s6], $0x80, v3, vm0, $0xb8;
	[tilespmem:$0x18100] =	vst v63  }
0x3ff: {  	s29 =	simm.s32 $0xB100  }
0x400: {  	[tilespmem:s29], [sflag:$0x1] =	stream.indirect_vreg.gather [hbm4b:s19+s6], $0x80, v3, vm0, $0xb8;
	[tilespmem:$0x18100] =	vst v63  }
0x401: {  	s30 =	simm.s32 $0xB900  }
0x402: {  	[tilespmem:s30], [sflag:$0x1] =	stream.indirect_vreg.gather [hbm4b:s20+s6], $0x80, v3, vm0, $0xb8;
	[tilespmem:$0x18100] =	vst v63  }
0x403: {  	s7 =	sld [smem:$0x7F5];
	_ =	swait.ge [sflag:s25], $0xC000  }
0x404: {  	s2 =	sld [smem:$0x7F8]  }
0x405: {  	[sflag:s25] =	ssyncset.done $0x0  }
0x406: {  	s1 =	sld [smem:$0x7F9];
	[sflag:s25] =	ssyncadd.s32 $0xFFFF4000  }
0x407: {  	[hbm4b:s2+s6] =	stream.linear.scatter [tilespmem:s28], [sflag:$0x4], $0xC000, $0x38;
	[tilespmem:$0x18100] =	vst v63  }
0x408: {  	_ = 	snop  }
0x409: {  	[hbm4b:s1+s6] =	stream.linear.scatter [tilespmem:s28], [sflag:$0x4], $0xC000, $0x38;
	[tilespmem:$0x18100] =	vst v63  }
0x40a: {  	_ =	swait.ge [sflag:s26], $0xC000  }
0x40b: {  	[sflag:s26] =	ssyncset.done $0x0  }
0x40c: {  	[sflag:s26] =	ssyncadd.s32 $0xFFFF4000  }
0x40d: {  	_ =	swait.ge [sflag:s26], $0xC000  }
0x40e: {  	[sflag:s26] =	ssyncset.done $0x0  }
0x40f: {  	[sflag:s26] =	ssyncadd.s32 $0xFFFF4000  }
0x410: {  	v3 =	vld [tilespmem:$0x80];
	_ =	sdelay $0x4  }
0x411: {  	v60 =	vshrl.u32 v3, $0x3  }
0x412: {  	v4 =	vmul.u32 $0x30, v60  }
0x413: {  	v3 =	vand.u32 $0x7, v3  }
0x414: {  	v3 =	vor.u32 v3, v4  }
0x415: {  	v4 =	vperm.xlane v3, v0;
	_ =	sdelay $0x1  }
0x416: {  	v4 =	vadd.s32 v1, v4;
	_ =	sdelay $0x3  }
0x417: {  	v3 =	vperm.xlane v3, v2  }
0x418: {  	[tilespmem:s28], [sflag:$0x2] =	stream.indirect_vreg.gather [hbm4b:s3+s6], $0x80, v4, vm0, $0xb8;
	[tilespmem:$0x18100] =	vst v63  }
0x419: {  	s2 =	simm.s32 $0xC900;
	v3 =	vadd.s32 v1, v3  }
0x41a: {  	[tilespmem:s2], [sflag:$0x2] =	stream.indirect_vreg.gather [hbm4b:s19+s6], $0x80, v4, vm0, $0xb8;
	[tilespmem:$0x18100] =	vst v63  }
0x41b: {  	s4 =	simm.s32 $0xD100  }
0x41c: {  	[tilespmem:s4], [sflag:$0x2] =	stream.indirect_vreg.gather [hbm4b:s20+s6], $0x80, v4, vm0, $0xb8;
	[tilespmem:$0x18100] =	vst v63  }
0x41d: {  	s5 =	simm.s32 $0xD900  }
0x41e: {  	[tilespmem:s5], [sflag:$0x2] =	stream.indirect_vreg.gather [hbm4b:s3+s6], $0x80, v3, vm0, $0xb8;
	[tilespmem:$0x18100] =	vst v63  }
0x41f: {  	s8 =	simm.s32 $0xE100  }
0x420: {  	[tilespmem:s8], [sflag:$0x2] =	stream.indirect_vreg.gather [hbm4b:s19+s6], $0x80, v3, vm0, $0xb8;
	[tilespmem:$0x18100] =	vst v63  }
0x421: {  	s5 =	simm.s32 $0xE900  }
0x422: {  	[tilespmem:s5], [sflag:$0x2] =	stream.indirect_vreg.gather [hbm4b:s20+s6], $0x80, v3, vm0, $0xb8;
	[tilespmem:$0x18100] =	vst v63  }
0x423: {  	v3 =	vld [tilespmem:$0x90];
	_ =	sdelay $0x4  }
0x424: {  	v61 =	vshrl.u32 v3, $0x3  }
0x425: {  	v4 =	vmul.u32 $0x30, v61  }
0x426: {  	v3 =	vand.u32 $0x7, v3  }
0x427: {  	v3 =	vor.u32 v3, v4  }
0x428: {  	v4 =	vperm.xlane v3, v0;
	_ =	sdelay $0x1  }
0x429: {  	v4 =	vadd.s32 v1, v4;
	_ =	sdelay $0x3  }
0x42a: {  	s8 =	simm.s32 $0xF100;
	v3 =	vperm.xlane v3, v2  }
0x42b: {  	[tilespmem:s8], [sflag:$0x2] =	stream.indirect_vreg.gather [hbm4b:s3+s6], $0x80, v4, vm0, $0xb8;
	[tilespmem:$0x18100] =	vst v63  }
0x42c: {  	s21 =	simm.s32 $0xF900;
	v3 =	vadd.s32 v1, v3  }
0x42d: {  	[tilespmem:s21], [sflag:$0x2] =	stream.indirect_vreg.gather [hbm4b:s19+s6], $0x80, v4, vm0, $0xb8;
	[tilespmem:$0x18100] =	vst v63  }
0x42e: {  	s31 =	simm.s32 $0x10100  }
0x42f: {  	[tilespmem:s31], [sflag:$0x2] =	stream.indirect_vreg.gather [hbm4b:s20+s6], $0x80, v4, vm0, $0xb8;
	[tilespmem:$0x18100] =	vst v63  }
0x430: {  	s29 =	simm.s32 $0x10900  }
0x431: {  	[tilespmem:s29], [sflag:$0x2] =	stream.indirect_vreg.gather [hbm4b:s3+s6], $0x80, v3, vm0, $0xb8;
	[tilespmem:$0x18100] =	vst v63  }
0x432: {  	s30 =	simm.s32 $0x11100  }
0x433: {  	[tilespmem:s30], [sflag:$0x2] =	stream.indirect_vreg.gather [hbm4b:s19+s6], $0x80, v3, vm0, $0xb8;
	[tilespmem:$0x18100] =	vst v63  }
0x434: {  	s31 =	simm.s32 $0x11900  }
0x435: {  	[tilespmem:s31], [sflag:$0x2] =	stream.indirect_vreg.gather [hbm4b:s20+s6], $0x80, v3, vm0, $0xb8;
	[tilespmem:$0x18100] =	vst v63  }
0x436: {  	v3 =	vld [tilespmem:$0xA0];
	_ =	sdelay $0x4  }
0x437: {  	v62 =	vshrl.u32 v3, $0x3  }
0x438: {  	v4 =	vmul.u32 $0x30, v62  }
0x439: {  	v3 =	vand.u32 $0x7, v3  }
0x43a: {  	v3 =	vor.u32 v3, v4  }
0x43b: {  	v4 =	vperm.xlane v3, v0;
	_ =	sdelay $0x1  }
0x43c: {  	v4 =	vadd.s32 v1, v4;
	_ =	sdelay $0x3  }
0x43d: {  	s2 =	simm.s32 $0x12100;
	v3 =	vperm.xlane v3, v2  }
0x43e: {  	[tilespmem:s2], [sflag:$0x2] =	stream.indirect_vreg.gather [hbm4b:s3+s6], $0x80, v4, vm0, $0xb8;
	[tilespmem:$0x18100] =	vst v63  }
0x43f: {  	s4 =	simm.s32 $0x12900;
	v3 =	vadd.s32 v1, v3  }
0x440: {  	[tilespmem:s4], [sflag:$0x2] =	stream.indirect_vreg.gather [hbm4b:s19+s6], $0x80, v4, vm0, $0xb8;
	[tilespmem:$0x18100] =	vst v63  }
0x441: {  	s5 =	simm.s32 $0x13100  }
0x442: {  	[tilespmem:s5], [sflag:$0x2] =	stream.indirect_vreg.gather [hbm4b:s20+s6], $0x80, v4, vm0, $0xb8;
	[tilespmem:$0x18100] =	vst v63  }
0x443: {  	s8 =	simm.s32 $0x13900  }
0x444: {  	[tilespmem:s8], [sflag:$0x2] =	stream.indirect_vreg.gather [hbm4b:s3+s6], $0x80, v3, vm0, $0xb8;
	[tilespmem:$0x18100] =	vst v63  }
0x445: {  	s21 =	simm.s32 $0x14100  }
0x446: {  	[tilespmem:s21], [sflag:$0x2] =	stream.indirect_vreg.gather [hbm4b:s19+s6], $0x80, v3, vm0, $0xb8;
	[tilespmem:$0x18100] =	vst v63  }
0x447: {  	s29 =	simm.s32 $0x14900  }
0x448: {  	[tilespmem:s29], [sflag:$0x2] =	stream.indirect_vreg.gather [hbm4b:s20+s6], $0x80, v3, vm0, $0xb8;
	[tilespmem:$0x18100] =	vst v63  }
0x449: {  	v3 =	vld [tilespmem:$0xB0];
	_ =	sdelay $0x4  }
0x44a: {  	v63 =	vshrl.u32 v3, $0x3  }
0x44b: {  	v4 =	vmul.u32 $0x30, v63  }
0x44c: {  	v3 =	vand.u32 $0x7, v3  }
0x44d: {  	v3 =	vor.u32 v3, v4  }
0x44e: {  	v4 =	vperm.xlane v3, v0;
	_ =	sdelay $0x1  }
0x44f: {  	v4 =	vadd.s32 v1, v4;
	_ =	sdelay $0x3  }
0x450: {  	s30 =	simm.s32 $0x15100;
	v3 =	vperm.xlane v3, v2  }
0x451: {  	[tilespmem:s30], [sflag:$0x2] =	stream.indirect_vreg.gather [hbm4b:s3+s6], $0x80, v4, vm0, $0xb8;
	[tilespmem:$0x18100] =	vst v63  }
0x452: {  	s31 =	simm.s32 $0x15900;
	v3 =	vadd.s32 v1, v3  }
0x453: {  	[tilespmem:s31], [sflag:$0x2] =	stream.indirect_vreg.gather [hbm4b:s19+s6], $0x80, v4, vm0, $0xb8;
	[tilespmem:$0x18100] =	vst v63  }
0x454: {  	s2 =	simm.s32 $0x16100  }
0x455: {  	[tilespmem:s2], [sflag:$0x2] =	stream.indirect_vreg.gather [hbm4b:s20+s6], $0x80, v4, vm0, $0xb8;
	[tilespmem:$0x18100] =	vst v63  }
0x456: {  	s0 =	simm.s32 $0x16900  }
0x457: {  	[tilespmem:s0], [sflag:$0x2] =	stream.indirect_vreg.gather [hbm4b:s3+s6], $0x80, v3, vm0, $0xb8;
	[tilespmem:$0x18100] =	vst v63  }
0x458: {  	s3 =	simm.s32 $0x17100  }
0x459: {  	[tilespmem:s3], [sflag:$0x2] =	stream.indirect_vreg.gather [hbm4b:s19+s6], $0x80, v3, vm0, $0xb8;
	[tilespmem:$0x18100] =	vst v63  }
0x45a: {  	s4 =	simm.s32 $0x17900  }
0x45b: {  	[tilespmem:s4], [sflag:$0x2] =	stream.indirect_vreg.gather [hbm4b:s20+s6], $0x80, v3, vm0, $0xb8;
	[tilespmem:$0x18100] =	vst v63  }
0x45c: {  	_ =	swait.ge [sflag:s22], $0xC000  }
0x45d: {  	s5 =	sld [smem:$0x7FA]  }
0x45e: {  	[sflag:s22] =	ssyncset.done $0x0  }
0x45f: {  	s8 =	sld [smem:$0x7FB];
	[sflag:s22] =	ssyncadd.s32 $0xFFFF4000  }
0x460: {  	[hbm4b:s5+s6] =	stream.linear.scatter [tilespmem:s23], [sflag:$0x3], $0xC000, $0x38;
	[tilespmem:$0x18100] =	vst v63  }
0x461: {  	_ = 	snop  }
0x462: {  	[hbm4b:s8+s6] =	stream.linear.scatter [tilespmem:s23], [sflag:$0x3], $0xC000, $0x38;
	[tilespmem:$0x18100] =	vst v63  }
0x463: {  	_ =	swait.ge [sflag:s25], $0xC000  }
0x464: {  	s21 =	sld [smem:$0x7FC]  }
0x465: {  	[sflag:s25] =	ssyncset.done $0x0  }
0x466: {  	s31 =	sld [smem:$0x7FD];
	[sflag:s25] =	ssyncadd.s32 $0xFFFF4000  }
0x467: {  	[hbm4b:s21+s6] =	stream.linear.scatter [tilespmem:s28], [sflag:$0x4], $0xC000, $0x38;
	[tilespmem:$0x18100] =	vst v63  }
0x468: {  	_ = 	snop  }
0x469: {  	[hbm4b:s31+s6] =	stream.linear.scatter [tilespmem:s28], [sflag:$0x4], $0xC000, $0x38;
	[tilespmem:$0x18100] =	vst v63  }
0x46a: {  	_ =	swait.ge [sflag:s24], $0xC000  }
0x46b: {  	[sflag:s24] =	ssyncset.done $0x0  }
0x46c: {  	[sflag:s24] =	ssyncadd.s32 $0xFFFF4000  }
0x46d: {  	_ =	swait.ge [sflag:s24], $0xC000  }
0x46e: {  	[sflag:s24] =	ssyncset.done $0x0  }
0x46f: {  	[sflag:s24] =	ssyncadd.s32 $0xFFFF4000  }
0x470: {  	p0 =	sne.s32 s7, $0x1;
	_ =	swait.ge [sflag:s26], $0xC000  }
.Ltmp0:
0x471: {  	[sflag:s26] =	ssyncset.done $0x0;
	(pc) =	sbr.rel @p0 .LBB3_1-.Ltmp0, $4  }
0x472: {  	[sflag:s26] =	ssyncadd.s32 $0xFFFF4000  }
0x473: {  	_ =	swait.ge [sflag:s26], $0xC000  }
0x474: {  	[sflag:s26] =	ssyncset.done $0x0  }
0x475: {  	s7 =	sadd.s32 $0xFFFFFFFF, s7;
	[sflag:s26] =	ssyncadd.s32 $0xFFFF4000  }
0x476: {  	_ =	sfence.sel $0x180000  }
0x477: {  	[bflag:$0x0] =	sbarrier.arrive $0xFFFF  }
0x478: {  	_ =	strace $0x90000047  }
0x479: {  	s0 =	stileid.u32;
	[bflag:$0x2] =	sbarrier.arrive $0xFFFF  }
0x47a: {  	p0 =	sne.s32 s0, $0x0;
	s0 =	sld [smem:$0x7F6];
	_ =	sdelay $0x2  }
0x47b: {  	s0 =	sadd.s32 @!p0 $0x100000, s0  }
0x47c: {  	[sflag:s0] =	ssyncadd.tile.s32 @!p0 $0x1;
	_ =	shalt  }
.Lfunc_end3:
_tile_overlayer_lowered:
.L_overlay_start_3:
0x47d: {  	(tag) =	ssettag $0x3  }
0x47e: {  	s0 =	rddreg [dreg:$0x0];
	s2 =	stileid.u32  }
0x47f: {  	s1 =	rddreg [dreg:$0x1];
	p0 =	sne.s32 s2, $0x0  }
0x480: {  	s3 =	rddreg [dreg:$0x2];
	[bflag:$0x3] =	sbarrier.arrive $0xFFFF;
	s2 =	simm.s32 @!p0 $0x1C05  }
0x481: {  	[timem:s3], [sflag:s2] =	dma.local @!p0 [hbm:s0], s1  }
0x482: {  	s0 =	simm.s32 @!p0 $0x5  }
0x483: {  	_ =	swait.ge @!p0 [sflag:s0], s1  }
0x484: {  	s1 =	ssub.s32 @!p0 $0x0, s1;
	[sflag:s0] =	ssyncset.done @!p0 $0x0  }
0x485: {  	[sflag:s0] =	ssyncadd.s32 @!p0 s1  }
0x486: {  	[bflag:$0x3] =	sbarrier.arrive $0xFFFF  }
0x487: {  	_ =	shalt  }

</sc_bundles>
